<compile_context>
chip_gen: v7x
topology: tpu7x:2x2x1
jax: 0.10.2.dev20260603
libtpu: 0.0.44.dev20260713+nightly
codegen_flags: <defaults>
</compile_context>

<pallas_src>
import functools

import jax
import jax.numpy as jnp
from jax import lax
from jax.experimental import pallas as pl
from jax.experimental.pallas import tpu as pltpu
from jax.experimental.pallas import tpu_sc as plsc

N = 100000
E = 3200000
H = 16

NC = 2
NS = 16
L = 16
NW = NC * NS

TSLICE = 6272
NPAD = NS * TSLICE
EPW = E // NW
B = 10000
NB = EPW // B

_mesh = plsc.VectorSubcoreMesh(
    core_axis_name="c", subcore_axis_name="s", num_cores=NC, num_subcores=NS)

_f32 = jnp.float32
_i32 = jnp.int32


def _zero_fill(buf, nwords):
    def body(i, _):
        buf[pl.ds(i * L, L)] = jnp.zeros((L,), _f32)
        return 0
    lax.fori_loop(0, nwords // L, body, 0)



@functools.partial(
    pl.kernel,
    out_type=jax.ShapeDtypeStruct((NC, NPAD), _f32),
    mesh=_mesh,
    scratch_types=[
        pltpu.VMEM((B,), _i32),
        pltpu.VMEM((B,), _f32),
        pltpu.VMEM((TSLICE,), _f32),
        pltpu.VMEM_SHARED((NPAD,), _f32),
    ],
)
def _count(dst_hbm, out_hbm, dstbuf, onesbuf, zbuf, accum):
    cid = lax.axis_index("c")
    sid = lax.axis_index("s")
    wid = cid * NS + sid
    sl = pl.ds(sid * TSLICE, TSLICE)

    def fill_ones(i, _):
        onesbuf[pl.ds(i * L, L)] = jnp.ones((L,), _f32)
        return 0
    lax.fori_loop(0, B // L, fill_ones, 0)
    _zero_fill(zbuf, TSLICE)
    pltpu.sync_copy(zbuf, accum.at[sl])
    plsc.subcore_barrier()

    def step(i, _):
        base = wid * EPW + i * B
        pltpu.sync_copy(dst_hbm.at[pl.ds(base, B)], dstbuf)
        pltpu.sync_copy(onesbuf, accum.at[dstbuf], add=True)
        return 0
    lax.fori_loop(0, NB, step, 0)

    plsc.subcore_barrier()
    pltpu.sync_copy(accum.at[sl], out_hbm.at[cid, sl])



_ROWS = NPAD // 128
_BR = 112


def _prep_body(c0r, c1r, xr, qr, dvr):
    deg = c0r[...] + c1r[...] + 1.0
    dv = lax.rsqrt(deg)
    dv = dv * (1.5 - 0.5 * deg * dv * dv)
    dvr[...] = dv
    qr[...] = dv * xr[...]


def _prep(c02, c12, x2):
    node_spec = pl.BlockSpec((_BR, 128), lambda i: (i, 0))
    return pl.pallas_call(
        _prep_body,
        grid=(_ROWS // _BR,),
        in_specs=[node_spec] * 3,
        out_specs=[node_spec] * 2,
        out_shape=[jax.ShapeDtypeStruct((_ROWS, 128), _f32)] * 2,
    )(c02, c12, x2)



@functools.partial(
    pl.kernel,
    out_type=jax.ShapeDtypeStruct((NC, NPAD), _f32),
    mesh=_mesh,
    scratch_types=[
        pltpu.VMEM((B,), _i32),
        pltpu.VMEM((B,), _i32),
        pltpu.VMEM((B,), _f32),
        pltpu.VMEM((TSLICE,), _f32),
        pltpu.VMEM((TSLICE,), _f32),
        pltpu.VMEM_SHARED((NPAD,), _f32),
        pltpu.VMEM_SHARED((NPAD,), _f32),
    ],
)
def _asum(q_hbm, src_hbm, dst_hbm, asum_hbm,
          srcbuf, dstbuf, valsbuf, qb, zbuf, qtab, accum):
    cid = lax.axis_index("c")
    sid = lax.axis_index("s")
    wid = cid * NS + sid
    sl = pl.ds(sid * TSLICE, TSLICE)

    pltpu.sync_copy(q_hbm.at[sl], qb)
    pltpu.sync_copy(qb, qtab.at[sl])
    _zero_fill(zbuf, TSLICE)
    pltpu.sync_copy(zbuf, accum.at[sl])
    plsc.subcore_barrier()

    def step(i, _):
        base = wid * EPW + i * B
        pltpu.sync_copy(src_hbm.at[pl.ds(base, B)], srcbuf)
        pltpu.sync_copy(dst_hbm.at[pl.ds(base, B)], dstbuf)
        pltpu.sync_copy(qtab.at[srcbuf], valsbuf)
        pltpu.sync_copy(valsbuf, accum.at[dstbuf], add=True)
        return 0
    lax.fori_loop(0, NB, step, 0)

    plsc.subcore_barrier()
    pltpu.sync_copy(accum.at[sl], asum_hbm.at[cid, sl])



@functools.partial(
    pl.kernel,
    out_type=(
        jax.ShapeDtypeStruct((NC, NPAD), _f32),
        jax.ShapeDtypeStruct((NC, NPAD), _f32),
    ),
    mesh=_mesh,
    scratch_types=[
        pltpu.VMEM((B,), _i32),
        pltpu.VMEM((B,), _i32),
        pltpu.VMEM((B,), _f32),
        pltpu.VMEM((B,), _f32),
        pltpu.VMEM((TSLICE,), _f32),
        pltpu.VMEM((TSLICE,), _f32),
        pltpu.VMEM((TSLICE,), _f32),
        pltpu.VMEM((TSLICE,), _f32),
        pltpu.VMEM((TSLICE,), _f32),
        pltpu.VMEM((TSLICE,), _f32),
        pltpu.VMEM((TSLICE,), _f32),
        pltpu.VMEM_SHARED((NPAD,), _f32),
        pltpu.VMEM_SHARED((NPAD,), _f32),
        pltpu.VMEM_SHARED((NPAD,), _f32),
        pltpu.VMEM_SHARED((NPAD,), _f32),
    ],
)
def _pair(q_hbm, dinv_hbm, asum_hbm, src_hbm, dst_hbm, sa_hbm, sc_hbm,
          srcbuf, dstbuf, davals, dcvals, qb, db, a0, a1, dab, dcb, zbuf,
          datab, dctab, sa_acc, sc_acc):
    cid = lax.axis_index("c")
    sid = lax.axis_index("s")
    wid = cid * NS + sid
    sl = pl.ds(sid * TSLICE, TSLICE)

    pltpu.sync_copy(q_hbm.at[sl], qb)
    pltpu.sync_copy(dinv_hbm.at[sl], db)
    pltpu.sync_copy(asum_hbm.at[0, sl], a0)
    pltpu.sync_copy(asum_hbm.at[1, sl], a1)

    def ew(i, _):
        ii = pl.ds(i * L, L)
        t = db[ii] * (a0[ii] + a1[ii] + qb[ii])
        dab[ii] = db[ii] * jnp.maximum(t, 0.0)
        dcb[ii] = db[ii] * jnp.minimum(t, 0.0)
        return 0
    lax.fori_loop(0, TSLICE // L, ew, 0)

    pltpu.sync_copy(dab, datab.at[sl])
    pltpu.sync_copy(dcb, dctab.at[sl])
    _zero_fill(zbuf, TSLICE)
    pltpu.sync_copy(zbuf, sa_acc.at[sl])
    pltpu.sync_copy(zbuf, sc_acc.at[sl])
    plsc.subcore_barrier()

    def step(i, _):
        base = wid * EPW + i * B
        pltpu.sync_copy(src_hbm.at[pl.ds(base, B)], srcbuf)
        pltpu.sync_copy(dst_hbm.at[pl.ds(base, B)], dstbuf)
        pltpu.sync_copy(datab.at[srcbuf], davals)
        pltpu.sync_copy(dctab.at[srcbuf], dcvals)
        pltpu.sync_copy(davals, sa_acc.at[dstbuf], add=True)
        pltpu.sync_copy(dcvals, sc_acc.at[dstbuf], add=True)
        return 0
    lax.fori_loop(0, NB, step, 0)

    plsc.subcore_barrier()
    pltpu.sync_copy(sa_acc.at[sl], sa_hbm.at[cid, sl])
    pltpu.sync_copy(sc_acc.at[sl], sc_hbm.at[cid, sl])



def _finish_body(qr, dvr, a0r, a1r, sa0r, sa1r, sc0r, sc1r,
                 W1r, W2r, b2r, Wfcr, bfcr, outr):
    dv = dvr[...]
    t = dv * (a0r[...] + a1r[...] + qr[...])
    da = dv * jnp.maximum(t, 0.0)
    dc = dv * jnp.minimum(t, 0.0)
    Ta = dv * (sa0r[...] + sa1r[...] + da)
    Tc = dv * (sc0r[...] + sc1r[...] + dc)
    bf = lambda a: a.astype(jnp.bfloat16).astype(_f32)
    w1 = W1r[...]
    w2b = bf(W2r[...])
    vp = jax.lax.dot(jnp.maximum(w1, 0.0), w2b,
                     precision=jax.lax.Precision.HIGHEST,
                     preferred_element_type=_f32)
    vn = jax.lax.dot(jnp.minimum(w1, 0.0), w2b,
                     precision=jax.lax.Precision.HIGHEST,
                     preferred_element_type=_f32)
    b2 = b2r[...]
    wfcb = bf(Wfcr[...])
    acc = jnp.zeros_like(Ta) + bfcr[...]
    for j in range(H):
        hj = jnp.maximum(Ta * vp[0:1, j:j + 1] + Tc * vn[0:1, j:j + 1]
                         + b2[0:1, j:j + 1], 0.0)
        acc = acc + wfcb[0:1, j:j + 1] * bf(hj)
    outr[...] = jnp.tanh(acc)


def _finish(q2, dv2, a02, a12, sa02, sa12, sc02, sc12, W1, W2, b2r, Wfcr, bfcr):
    node_spec = pl.BlockSpec((_BR, 128), lambda i: (i, 0))
    w_spec = lambda s: pl.BlockSpec(s, lambda i: (0, 0))
    return pl.pallas_call(
        _finish_body,
        grid=(_ROWS // _BR,),
        in_specs=[node_spec] * 8 + [
            w_spec((1, H)), w_spec((H, H)), w_spec((1, H)),
            w_spec((1, H)), w_spec((1, 1)),
        ],
        out_specs=node_spec,
        out_shape=jax.ShapeDtypeStruct((_ROWS, 128), _f32),
    )(q2, dv2, a02, a12, sa02, sa12, sc02, sc12, W1, W2, b2r, Wfcr, bfcr)


def kernel(x, edge_index, W1, b1, W2, b2, Wfc, bfc):
    del b1
    src = edge_index[0].astype(_i32)
    dst = edge_index[1].astype(_i32)
    xp = jnp.zeros((NPAD,), _f32).at[:N].set(x[:, 0])

    rs = lambda a: a.reshape(_ROWS, 128)
    flat = lambda a: a.reshape(NPAD)

    cnt = _count(dst)
    q2, dv2 = _prep(rs(cnt[0]), rs(cnt[1]), rs(xp))
    q, dinv = flat(q2), flat(dv2)
    asum = _asum(q, src, dst)
    sa, sc = _pair(q, dinv, asum, src, dst)

    out = _finish(rs(q), rs(dinv), rs(asum[0]), rs(asum[1]),
                  rs(sa[0]), rs(sa[1]), rs(sc[0]), rs(sc[1]),
                  W1, W2, b2.reshape(1, H), Wfc.reshape(1, H),
                  bfc.reshape(1, 1))
    return out.reshape(NPAD)[:N].reshape(N, 1)

# --- scband reference (transcript-rebuilt; emitter-appended) ---
"""Pipeline reference for scband-spacecraft-gnn-6098853560889 (READ-ONLY COPY).

The authoritative reference and input builder live on the scoring server;
editing this copy changes nothing except your own understanding.
"""

import jax, jax.numpy as jnp
import numpy as np

N = 100000
E = 3200000
HIDDEN = 16


def gcn_conv(x, src, dst, W, b, num_nodes):
    # PyG GCNConv semantics: add self-loops, symmetric normalization D^-1/2 (A+I) D^-1/2, then linear
    loop = jnp.arange(num_nodes, dtype=src.dtype)
    s = jnp.concatenate([src, loop])
    d = jnp.concatenate([dst, loop])
    deg = jnp.zeros((num_nodes,), dtype=x.dtype).at[d].add(1.0)
    dinv = jnp.where(deg > 0, deg ** -0.5, 0.0)
    norm = dinv[s] * dinv[d]
    h = x @ W
    msg = h[s] * norm[:, None]
    out = jnp.zeros((num_nodes, W.shape[1]), dtype=x.dtype).at[d].add(msg)
    return out + b


def setup_inputs(seed: int = 0) -> dict:
    key = jax.random.key(seed)
    ks = jax.random.split(key, 8)
    x = jax.random.normal(ks[0], (N, 1), dtype=jnp.float32)
    edge_index = jax.random.randint(ks[1], (2, E), 0, N, dtype=jnp.int64)
    W1 = jax.random.normal(ks[2], (1, HIDDEN), dtype=jnp.float32) * 0.5
    b1 = jnp.zeros((HIDDEN,), dtype=jnp.float32)
    W2 = jax.random.normal(ks[3], (HIDDEN, HIDDEN), dtype=jnp.float32) * (1.0 / np.sqrt(HIDDEN))
    b2 = jnp.zeros((HIDDEN,), dtype=jnp.float32)
    Wfc = jax.random.normal(ks[4], (HIDDEN, 1), dtype=jnp.float32) * (1.0 / np.sqrt(HIDDEN))
    bfc = jnp.zeros((1,), dtype=jnp.float32)
    return {"x": x, "edge_index": edge_index, "W1": W1, "b1": b1, "W2": W2, "b2": b2, "Wfc": Wfc, "bfc": bfc}


def reference(x, edge_index, W1, b1, W2, b2, Wfc, bfc):
    src = edge_index[0]
    dst = edge_index[1]
    h = gcn_conv(x, src, dst, W1, b1, N)
    h = jax.nn.relu(h)
    h = gcn_conv(h, src, dst, W2, b2, N)
    h = jax.nn.relu(h)
    out = h @ Wfc + bfc
    out = jnp.tanh(out)
    return out

if __name__ == "__main__":
    import jax
    _d = setup_inputs()
    print(jax.jit(kernel)(*tuple(_d.values())))

</pallas_src>

<mosaic_0001>
#map = affine_map<(d0, d1) -> (0)>
#map1 = affine_map<(d0, d1) -> (0, 0)>
module attributes {stable_mosaic.version = 14 : i64} {
  func.func @_count(%arg0: i32, %arg1: i32, %arg2: memref<3200000xi32, #tpu.memory_space<hbm>>, %arg3: memref<2x100352xf32, #tpu.memory_space<hbm>>, %arg4: memref<10000xi32, #tpu.memory_space<vmem>>, %arg5: memref<10000xf32, #tpu.memory_space<vmem>>, %arg6: memref<6272xf32, #tpu.memory_space<vmem>>, %arg7: memref<100352xf32, #tpu.memory_space<vmem_shared>>) attributes {dimension_semantics = [#tpu.dimension_semantics<core_parallel>, #tpu.dimension_semantics<subcore_parallel>], iteration_bounds = array<i64: 2, 16>, scalar_prefetch = 0 : i64, scratch_operands = 4 : i64, tpu.core_type = #tpu.core_type<sc_vector_subcore>, window_params = [{transform_indices = #map}, {transform_indices = #map1}]} {
    %mul3A = arith.constant 16 : i32
    %mul3A_0 = arith.muli %arg0, %mul3A : i32
    %add3A = arith.addi %mul3A_0, %arg1 : i32
    %mul3A_1 = arith.constant 6272 : i32
    %mul3A_2 = arith.muli %arg1, %mul3A_1 : i32
    %scan3A = arith.constant 0 : i32
    %scan3A_3 = arith.constant 0 : i32
    %scan3A_4 = arith.constant 625 : i32
    %scan3A_5 = arith.addi %scan3A_3, %scan3A_4 : i32
    %scan3A_6 = arith.constant 1 : i32
    %scan3A_7 = scf.for %scan3A_24 = %scan3A_3 to %scan3A_5 step %scan3A_6 iter_args(%scan3A_25 = %scan3A) -> (i32)  : i32 {
      %broadcast_in_dim3A = arith.constant 1.000000e+00 : f32
      %broadcast_in_dim3A_26 = vector.broadcast %broadcast_in_dim3A : f32 to vector<16xf32>
      %mul3A_27 = arith.constant 16 : i32
      %mul3A_28 = arith.muli %scan3A_24, %mul3A_27 : i32
      %swap3A = arith.index_cast %mul3A_28 : i32 to index
      %swap3A_29 = tpu.vector_load %arg5[%swap3A] {strides = array<i32>} : memref<10000xf32, #tpu.memory_space<vmem>>, vector<16xf32>,
      %swap3A_30 = vector.shape_cast %swap3A_29 : vector<16xf32> to vector<16xf32>
      %swap3A_31 = vector.shape_cast %broadcast_in_dim3A_26 : vector<16xf32> to vector<16xf32>
      tpu.vector_store %arg5[%swap3A], %swap3A_31 {strides = array<i32>} : memref<10000xf32, #tpu.memory_space<vmem>>, vector<16xf32>,
      %scan3A_32 = arith.constant 0 : i32
      scf.yield %scan3A_32 : i32
    }
    %scan3A_8 = arith.constant 625 : i32
    %scan3A_9 = arith.constant 0 : i32
    %scan3A_10 = arith.constant 0 : i32
    %scan3A_11 = arith.constant 392 : i32
    %scan3A_12 = arith.addi %scan3A_10, %scan3A_11 : i32
    %scan3A_13 = arith.constant 1 : i32
    %scan3A_14 = scf.for %scan3A_24 = %scan3A_10 to %scan3A_12 step %scan3A_13 iter_args(%scan3A_25 = %scan3A_9) -> (i32)  : i32 {
      %broadcast_in_dim3A = arith.constant 0.000000e+00 : f32
      %broadcast_in_dim3A_26 = vector.broadcast %broadcast_in_dim3A : f32 to vector<16xf32>
      %mul3A_27 = arith.constant 16 : i32
      %mul3A_28 = arith.muli %scan3A_24, %mul3A_27 : i32
      %swap3A = arith.index_cast %mul3A_28 : i32 to index
      %swap3A_29 = tpu.vector_load %arg6[%swap3A] {strides = array<i32>} : memref<6272xf32, #tpu.memory_space<vmem>>, vector<16xf32>,
      %swap3A_30 = vector.shape_cast %swap3A_29 : vector<16xf32> to vector<16xf32>
      %swap3A_31 = vector.shape_cast %broadcast_in_dim3A_26 : vector<16xf32> to vector<16xf32>
      tpu.vector_store %arg6[%swap3A], %swap3A_31 {strides = array<i32>} : memref<6272xf32, #tpu.memory_space<vmem>>, vector<16xf32>,
      %scan3A_32 = arith.constant 0 : i32
      scf.yield %scan3A_32 : i32
    }
    %scan3A_15 = arith.constant 392 : i32
    "tpu.region"() ({
      %run_scoped3A = tpu.sem_alloc : memref<!tpu.dma_semaphore, #tpu.memory_space<semaphore_mem>>
      %dma_start3A = tpu.memref_slice %arg7[%mul3A_2] : memref<100352xf32, #tpu.memory_space<vmem_shared>> -> memref<6272xf32, #tpu.memory_space<vmem_shared>>
      %dma_start3A_24 = tpu.memref_slice %arg7[%mul3A_2] : memref<100352xf32, #tpu.memory_space<vmem_shared>> -> memref<6272xf32, #tpu.memory_space<vmem_shared>>
      tpu.enqueue_dma source(%arg6 : memref<6272xf32, #tpu.memory_space<vmem>>) target(%dma_start3A_24 : memref<6272xf32, #tpu.memory_space<vmem_shared>>) target_semaphore(%run_scoped3A : memref<!tpu.dma_semaphore, #tpu.memory_space<semaphore_mem>>)
      %dma_wait3A = tpu.memref_slice %arg7[%mul3A_2] : memref<100352xf32, #tpu.memory_space<vmem_shared>> -> memref<6272xf32, #tpu.memory_space<vmem_shared>>
      %dma_wait3A_25 = tpu.memref_slice %arg7[%mul3A_2] : memref<100352xf32, #tpu.memory_space<vmem_shared>> -> memref<6272xf32, #tpu.memory_space<vmem_shared>>
      tpu.wait_dma2 semaphore(%run_scoped3A : memref<!tpu.dma_semaphore, #tpu.memory_space<semaphore_mem>>) src(%arg6 : memref<6272xf32, #tpu.memory_space<vmem>>) dst(%dma_wait3A_25 : memref<6272xf32, #tpu.memory_space<vmem_shared>>)
      tpu.yield
    }) : () -> ()
    %barrier3A = arith.constant 0 : index
    tpu.barrier barrier_id(%barrier3A)
    %scan3A_16 = arith.constant 0 : i32
    %scan3A_17 = arith.constant 0 : i32
    %scan3A_18 = arith.constant 10 : i32
    %scan3A_19 = arith.addi %scan3A_17, %scan3A_18 : i32
    %scan3A_20 = arith.constant 1 : i32
    %scan3A_21 = scf.for %scan3A_24 = %scan3A_17 to %scan3A_19 step %scan3A_20 iter_args(%scan3A_25 = %scan3A_16) -> (i32)  : i32 {
      %mul3A_26 = arith.constant 100000 : i32
      %mul3A_27 = arith.muli %add3A, %mul3A_26 : i32
      %mul3A_28 = arith.constant 10000 : i32
      %mul3A_29 = arith.muli %scan3A_24, %mul3A_28 : i32
      %add3A_30 = arith.addi %mul3A_27, %mul3A_29 : i32
      "tpu.region"() ({
        %run_scoped3A = tpu.sem_alloc : memref<!tpu.dma_semaphore, #tpu.memory_space<semaphore_mem>>
        %dma_start3A = tpu.memref_slice %arg2[%add3A_30] : memref<3200000xi32, #tpu.memory_space<hbm>> -> memref<10000xi32, #tpu.memory_space<hbm>>
        %dma_start3A_32 = tpu.memref_slice %arg2[%add3A_30] : memref<3200000xi32, #tpu.memory_space<hbm>> -> memref<10000xi32, #tpu.memory_space<hbm>>
        tpu.enqueue_dma source(%dma_start3A_32 : memref<10000xi32, #tpu.memory_space<hbm>>) target(%arg4 : memref<10000xi32, #tpu.memory_space<vmem>>) target_semaphore(%run_scoped3A : memref<!tpu.dma_semaphore, #tpu.memory_space<semaphore_mem>>)
        %dma_wait3A = tpu.memref_slice %arg2[%add3A_30] : memref<3200000xi32, #tpu.memory_space<hbm>> -> memref<10000xi32, #tpu.memory_space<hbm>>
        %dma_wait3A_33 = tpu.memref_slice %arg2[%add3A_30] : memref<3200000xi32, #tpu.memory_space<hbm>> -> memref<10000xi32, #tpu.memory_space<hbm>>
        tpu.wait_dma2 semaphore(%run_scoped3A : memref<!tpu.dma_semaphore, #tpu.memory_space<semaphore_mem>>) src(%dma_wait3A_33 : memref<10000xi32, #tpu.memory_space<hbm>>) dst(%arg4 : memref<10000xi32, #tpu.memory_space<vmem>>)
        tpu.yield
      }) : () -> ()
      "tpu.region"() ({
        %run_scoped3A = tpu.sem_alloc : memref<!tpu.dma_semaphore, #tpu.memory_space<semaphore_mem>>
        %dma_start3A = arith.constant 0 : i32
        %dma_start3A_32 = tpu.memref_slice %arg7[%dma_start3A] : memref<100352xf32, #tpu.memory_space<vmem_shared>> -> memref<100352xf32, #tpu.memory_space<vmem_shared>>
        tpu.enqueue_indirect_dma source(%arg5 : memref<10000xf32, #tpu.memory_space<vmem>>) target(%dma_start3A_32 : memref<100352xf32, #tpu.memory_space<vmem_shared>>) offsets(%arg4 : memref<10000xi32, #tpu.memory_space<vmem>>) semaphore(%run_scoped3A : memref<!tpu.dma_semaphore, #tpu.memory_space<semaphore_mem>>) {add = true}
        %dma_wait3A = arith.constant 0 : i32
        %dma_wait3A_33 = tpu.memref_slice %arg7[%dma_wait3A] : memref<100352xf32, #tpu.memory_space<vmem_shared>> -> memref<100352xf32, #tpu.memory_space<vmem_shared>>
        tpu.wait_indirect_dma semaphore(%run_scoped3A : memref<!tpu.dma_semaphore, #tpu.memory_space<semaphore_mem>>) src(%arg5 : memref<10000xf32, #tpu.memory_space<vmem>>) dst(%dma_wait3A_33 : memref<100352xf32, #tpu.memory_space<vmem_shared>>)
        tpu.yield
      }) : () -> ()
      %scan3A_31 = arith.constant 0 : i32
      scf.yield %scan3A_31 : i32
    }
    %scan3A_22 = arith.constant 10 : i32
    %barrier3A_23 = arith.constant 0 : index
    tpu.barrier barrier_id(%barrier3A_23)
    "tpu.region"() ({
      %run_scoped3A = tpu.sem_alloc : memref<!tpu.dma_semaphore, #tpu.memory_space<semaphore_mem>>
      %dma_start3A = tpu.memref_slice %arg3[%arg0, %mul3A_2] : memref<2x100352xf32, #tpu.memory_space<hbm>> -> memref<1x6272xf32, #tpu.memory_space<hbm>>
      %dma_start3A_24 = tpu.memref_squeeze %dma_start3A : memref<1x6272xf32, #tpu.memory_space<hbm>> -> memref<6272xf32, #tpu.memory_space<hbm>>
      %dma_start3A_25 = tpu.memref_slice %arg7[%mul3A_2] : memref<100352xf32, #tpu.memory_space<vmem_shared>> -> memref<6272xf32, #tpu.memory_space<vmem_shared>>
      tpu.enqueue_dma source(%dma_start3A_25 : memref<6272xf32, #tpu.memory_space<vmem_shared>>) target(%dma_start3A_24 : memref<6272xf32, #tpu.memory_space<hbm>>) target_semaphore(%run_scoped3A : memref<!tpu.dma_semaphore, #tpu.memory_space<semaphore_mem>>)
      %dma_wait3A = tpu.memref_slice %arg3[%arg0, %mul3A_2] : memref<2x100352xf32, #tpu.memory_space<hbm>> -> memref<1x6272xf32, #tpu.memory_space<hbm>>
      %dma_wait3A_26 = tpu.memref_squeeze %dma_wait3A : memref<1x6272xf32, #tpu.memory_space<hbm>> -> memref<6272xf32, #tpu.memory_space<hbm>>
      %dma_wait3A_27 = tpu.memref_slice %arg7[%mul3A_2] : memref<100352xf32, #tpu.memory_space<vmem_shared>> -> memref<6272xf32, #tpu.memory_space<vmem_shared>>
      tpu.wait_dma2 semaphore(%run_scoped3A : memref<!tpu.dma_semaphore, #tpu.memory_space<semaphore_mem>>) src(%dma_wait3A_27 : memref<6272xf32, #tpu.memory_space<vmem_shared>>) dst(%dma_wait3A_26 : memref<6272xf32, #tpu.memory_space<hbm>>)
      tpu.yield
    }) : () -> ()
    return
  }
}

#map = affine_map<(d0, d1) -> (0)>
#map1 = affine_map<(d0, d1) -> (0, 0)>
module attributes {stable_mosaic.version = 14 : i64} {
  func.func @_asum(%arg0: i32, %arg1: i32, %arg2: memref<100352xf32, #tpu.memory_space<hbm>>, %arg3: memref<3200000xi32, #tpu.memory_space<hbm>>, %arg4: memref<3200000xi32, #tpu.memory_space<hbm>>, %arg5: memref<2x100352xf32, #tpu.memory_space<hbm>>, %arg6: memref<10000xi32, #tpu.memory_space<vmem>>, %arg7: memref<10000xi32, #tpu.memory_space<vmem>>, %arg8: memref<10000xf32, #tpu.memory_space<vmem>>, %arg9: memref<6272xf32, #tpu.memory_space<vmem>>, %arg10: memref<6272xf32, #tpu.memory_space<vmem>>, %arg11: memref<100352xf32, #tpu.memory_space<vmem_shared>>, %arg12: memref<100352xf32, #tpu.memory_space<vmem_shared>>) attributes {dimension_semantics = [#tpu.dimension_semantics<core_parallel>, #tpu.dimension_semantics<subcore_parallel>], iteration_bounds = array<i64: 2, 16>, scalar_prefetch = 0 : i64, scratch_operands = 7 : i64, tpu.core_type = #tpu.core_type<sc_vector_subcore>, window_params = [{transform_indices = #map}, {transform_indices = #map}, {transform_indices = #map}, {transform_indices = #map1}]} {
    %mul3A = arith.constant 16 : i32
    %mul3A_0 = arith.muli %arg0, %mul3A : i32
    %add3A = arith.addi %mul3A_0, %arg1 : i32
    %mul3A_1 = arith.constant 6272 : i32
    %mul3A_2 = arith.muli %arg1, %mul3A_1 : i32
    "tpu.region"() ({
      %run_scoped3A = tpu.sem_alloc : memref<!tpu.dma_semaphore, #tpu.memory_space<semaphore_mem>>
      %dma_start3A = tpu.memref_slice %arg2[%mul3A_2] : memref<100352xf32, #tpu.memory_space<hbm>> -> memref<6272xf32, #tpu.memory_space<hbm>>
      %dma_start3A_17 = tpu.memref_slice %arg2[%mul3A_2] : memref<100352xf32, #tpu.memory_space<hbm>> -> memref<6272xf32, #tpu.memory_space<hbm>>
      tpu.enqueue_dma source(%dma_start3A_17 : memref<6272xf32, #tpu.memory_space<hbm>>) target(%arg9 : memref<6272xf32, #tpu.memory_space<vmem>>) target_semaphore(%run_scoped3A : memref<!tpu.dma_semaphore, #tpu.memory_space<semaphore_mem>>)
      %dma_wait3A = tpu.memref_slice %arg2[%mul3A_2] : memref<100352xf32, #tpu.memory_space<hbm>> -> memref<6272xf32, #tpu.memory_space<hbm>>
      %dma_wait3A_18 = tpu.memref_slice %arg2[%mul3A_2] : memref<100352xf32, #tpu.memory_space<hbm>> -> memref<6272xf32, #tpu.memory_space<hbm>>
      tpu.wait_dma2 semaphore(%run_scoped3A : memref<!tpu.dma_semaphore, #tpu.memory_space<semaphore_mem>>) src(%dma_wait3A_18 : memref<6272xf32, #tpu.memory_space<hbm>>) dst(%arg9 : memref<6272xf32, #tpu.memory_space<vmem>>)
      tpu.yield
    }) : () -> ()
    "tpu.region"() ({
      %run_scoped3A = tpu.sem_alloc : memref<!tpu.dma_semaphore, #tpu.memory_space<semaphore_mem>>
      %dma_start3A = tpu.memref_slice %arg11[%mul3A_2] : memref<100352xf32, #tpu.memory_space<vmem_shared>> -> memref<6272xf32, #tpu.memory_space<vmem_shared>>
      %dma_start3A_17 = tpu.memref_slice %arg11[%mul3A_2] : memref<100352xf32, #tpu.memory_space<vmem_shared>> -> memref<6272xf32, #tpu.memory_space<vmem_shared>>
      tpu.enqueue_dma source(%arg9 : memref<6272xf32, #tpu.memory_space<vmem>>) target(%dma_start3A_17 : memref<6272xf32, #tpu.memory_space<vmem_shared>>) target_semaphore(%run_scoped3A : memref<!tpu.dma_semaphore, #tpu.memory_space<semaphore_mem>>)
      %dma_wait3A = tpu.memref_slice %arg11[%mul3A_2] : memref<100352xf32, #tpu.memory_space<vmem_shared>> -> memref<6272xf32, #tpu.memory_space<vmem_shared>>
      %dma_wait3A_18 = tpu.memref_slice %arg11[%mul3A_2] : memref<100352xf32, #tpu.memory_space<vmem_shared>> -> memref<6272xf32, #tpu.memory_space<vmem_shared>>
      tpu.wait_dma2 semaphore(%run_scoped3A : memref<!tpu.dma_semaphore, #tpu.memory_space<semaphore_mem>>) src(%arg9 : memref<6272xf32, #tpu.memory_space<vmem>>) dst(%dma_wait3A_18 : memref<6272xf32, #tpu.memory_space<vmem_shared>>)
      tpu.yield
    }) : () -> ()
    %scan3A = arith.constant 0 : i32
    %scan3A_3 = arith.constant 0 : i32
    %scan3A_4 = arith.constant 392 : i32
    %scan3A_5 = arith.addi %scan3A_3, %scan3A_4 : i32
    %scan3A_6 = arith.constant 1 : i32
    %scan3A_7 = scf.for %scan3A_17 = %scan3A_3 to %scan3A_5 step %scan3A_6 iter_args(%scan3A_18 = %scan3A) -> (i32)  : i32 {
      %broadcast_in_dim3A = arith.constant 0.000000e+00 : f32
      %broadcast_in_dim3A_19 = vector.broadcast %broadcast_in_dim3A : f32 to vector<16xf32>
      %mul3A_20 = arith.constant 16 : i32
      %mul3A_21 = arith.muli %scan3A_17, %mul3A_20 : i32
      %swap3A = arith.index_cast %mul3A_21 : i32 to index
      %swap3A_22 = tpu.vector_load %arg10[%swap3A] {strides = array<i32>} : memref<6272xf32, #tpu.memory_space<vmem>>, vector<16xf32>,
      %swap3A_23 = vector.shape_cast %swap3A_22 : vector<16xf32> to vector<16xf32>
      %swap3A_24 = vector.shape_cast %broadcast_in_dim3A_19 : vector<16xf32> to vector<16xf32>
      tpu.vector_store %arg10[%swap3A], %swap3A_24 {strides = array<i32>} : memref<6272xf32, #tpu.memory_space<vmem>>, vector<16xf32>,
      %scan3A_25 = arith.constant 0 : i32
      scf.yield %scan3A_25 : i32
    }
    %scan3A_8 = arith.constant 392 : i32
    "tpu.region"() ({
      %run_scoped3A = tpu.sem_alloc : memref<!tpu.dma_semaphore, #tpu.memory_space<semaphore_mem>>
      %dma_start3A = tpu.memref_slice %arg12[%mul3A_2] : memref<100352xf32, #tpu.memory_space<vmem_shared>> -> memref<6272xf32, #tpu.memory_space<vmem_shared>>
      %dma_start3A_17 = tpu.memref_slice %arg12[%mul3A_2] : memref<100352xf32, #tpu.memory_space<vmem_shared>> -> memref<6272xf32, #tpu.memory_space<vmem_shared>>
      tpu.enqueue_dma source(%arg10 : memref<6272xf32, #tpu.memory_space<vmem>>) target(%dma_start3A_17 : memref<6272xf32, #tpu.memory_space<vmem_shared>>) target_semaphore(%run_scoped3A : memref<!tpu.dma_semaphore, #tpu.memory_space<semaphore_mem>>)
      %dma_wait3A = tpu.memref_slice %arg12[%mul3A_2] : memref<100352xf32, #tpu.memory_space<vmem_shared>> -> memref<6272xf32, #tpu.memory_space<vmem_shared>>
      %dma_wait3A_18 = tpu.memref_slice %arg12[%mul3A_2] : memref<100352xf32, #tpu.memory_space<vmem_shared>> -> memref<6272xf32, #tpu.memory_space<vmem_shared>>
      tpu.wait_dma2 semaphore(%run_scoped3A : memref<!tpu.dma_semaphore, #tpu.memory_space<semaphore_mem>>) src(%arg10 : memref<6272xf32, #tpu.memory_space<vmem>>) dst(%dma_wait3A_18 : memref<6272xf32, #tpu.memory_space<vmem_shared>>)
      tpu.yield
    }) : () -> ()
    %barrier3A = arith.constant 0 : index
    tpu.barrier barrier_id(%barrier3A)
    %scan3A_9 = arith.constant 0 : i32
    %scan3A_10 = arith.constant 0 : i32
    %scan3A_11 = arith.constant 10 : i32
    %scan3A_12 = arith.addi %scan3A_10, %scan3A_11 : i32
    %scan3A_13 = arith.constant 1 : i32
    %scan3A_14 = scf.for %scan3A_17 = %scan3A_10 to %scan3A_12 step %scan3A_13 iter_args(%scan3A_18 = %scan3A_9) -> (i32)  : i32 {
      %mul3A_19 = arith.constant 100000 : i32
      %mul3A_20 = arith.muli %add3A, %mul3A_19 : i32
      %mul3A_21 = arith.constant 10000 : i32
      %mul3A_22 = arith.muli %scan3A_17, %mul3A_21 : i32
      %add3A_23 = arith.addi %mul3A_20, %mul3A_22 : i32
      "tpu.region"() ({
        %run_scoped3A = tpu.sem_alloc : memref<!tpu.dma_semaphore, #tpu.memory_space<semaphore_mem>>
        %dma_start3A = tpu.memref_slice %arg3[%add3A_23] : memref<3200000xi32, #tpu.memory_space<hbm>> -> memref<10000xi32, #tpu.memory_space<hbm>>
        %dma_start3A_25 = tpu.memref_slice %arg3[%add3A_23] : memref<3200000xi32, #tpu.memory_space<hbm>> -> memref<10000xi32, #tpu.memory_space<hbm>>
        tpu.enqueue_dma source(%dma_start3A_25 : memref<10000xi32, #tpu.memory_space<hbm>>) target(%arg6 : memref<10000xi32, #tpu.memory_space<vmem>>) target_semaphore(%run_scoped3A : memref<!tpu.dma_semaphore, #tpu.memory_space<semaphore_mem>>)
        %dma_wait3A = tpu.memref_slice %arg3[%add3A_23] : memref<3200000xi32, #tpu.memory_space<hbm>> -> memref<10000xi32, #tpu.memory_space<hbm>>
        %dma_wait3A_26 = tpu.memref_slice %arg3[%add3A_23] : memref<3200000xi32, #tpu.memory_space<hbm>> -> memref<10000xi32, #tpu.memory_space<hbm>>
        tpu.wait_dma2 semaphore(%run_scoped3A : memref<!tpu.dma_semaphore, #tpu.memory_space<semaphore_mem>>) src(%dma_wait3A_26 : memref<10000xi32, #tpu.memory_space<hbm>>) dst(%arg6 : memref<10000xi32, #tpu.memory_space<vmem>>)
        tpu.yield
      }) : () -> ()
      "tpu.region"() ({
        %run_scoped3A = tpu.sem_alloc : memref<!tpu.dma_semaphore, #tpu.memory_space<semaphore_mem>>
        %dma_start3A = tpu.memref_slice %arg4[%add3A_23] : memref<3200000xi32, #tpu.memory_space<hbm>> -> memref<10000xi32, #tpu.memory_space<hbm>>
        %dma_start3A_25 = tpu.memref_slice %arg4[%add3A_23] : memref<3200000xi32, #tpu.memory_space<hbm>> -> memref<10000xi32, #tpu.memory_space<hbm>>
        tpu.enqueue_dma source(%dma_start3A_25 : memref<10000xi32, #tpu.memory_space<hbm>>) target(%arg7 : memref<10000xi32, #tpu.memory_space<vmem>>) target_semaphore(%run_scoped3A : memref<!tpu.dma_semaphore, #tpu.memory_space<semaphore_mem>>)
        %dma_wait3A = tpu.memref_slice %arg4[%add3A_23] : memref<3200000xi32, #tpu.memory_space<hbm>> -> memref<10000xi32, #tpu.memory_space<hbm>>
        %dma_wait3A_26 = tpu.memref_slice %arg4[%add3A_23] : memref<3200000xi32, #tpu.memory_space<hbm>> -> memref<10000xi32, #tpu.memory_space<hbm>>
        tpu.wait_dma2 semaphore(%run_scoped3A : memref<!tpu.dma_semaphore, #tpu.memory_space<semaphore_mem>>) src(%dma_wait3A_26 : memref<10000xi32, #tpu.memory_space<hbm>>) dst(%arg7 : memref<10000xi32, #tpu.memory_space<vmem>>)
        tpu.yield
      }) : () -> ()
      "tpu.region"() ({
        %run_scoped3A = tpu.sem_alloc : memref<!tpu.dma_semaphore, #tpu.memory_space<semaphore_mem>>
        %dma_start3A = arith.constant 0 : i32
        %dma_start3A_25 = tpu.memref_slice %arg11[%dma_start3A] : memref<100352xf32, #tpu.memory_space<vmem_shared>> -> memref<100352xf32, #tpu.memory_space<vmem_shared>>
        tpu.enqueue_indirect_dma source(%dma_start3A_25 : memref<100352xf32, #tpu.memory_space<vmem_shared>>) target(%arg8 : memref<10000xf32, #tpu.memory_space<vmem>>) offsets(%arg6 : memref<10000xi32, #tpu.memory_space<vmem>>) semaphore(%run_scoped3A : memref<!tpu.dma_semaphore, #tpu.memory_space<semaphore_mem>>)
        %dma_wait3A = arith.constant 0 : i32
        %dma_wait3A_26 = tpu.memref_slice %arg11[%dma_wait3A] : memref<100352xf32, #tpu.memory_space<vmem_shared>> -> memref<100352xf32, #tpu.memory_space<vmem_shared>>
        tpu.wait_indirect_dma semaphore(%run_scoped3A : memref<!tpu.dma_semaphore, #tpu.memory_space<semaphore_mem>>) src(%dma_wait3A_26 : memref<100352xf32, #tpu.memory_space<vmem_shared>>) dst(%arg8 : memref<10000xf32, #tpu.memory_space<vmem>>)
        tpu.yield
      }) : () -> ()
      "tpu.region"() ({
        %run_scoped3A = tpu.sem_alloc : memref<!tpu.dma_semaphore, #tpu.memory_space<semaphore_mem>>
        %dma_start3A = arith.constant 0 : i32
        %dma_start3A_25 = tpu.memref_slice %arg12[%dma_start3A] : memref<100352xf32, #tpu.memory_space<vmem_shared>> -> memref<100352xf32, #tpu.memory_space<vmem_shared>>
        tpu.enqueue_indirect_dma source(%arg8 : memref<10000xf32, #tpu.memory_space<vmem>>) target(%dma_start3A_25 : memref<100352xf32, #tpu.memory_space<vmem_shared>>) offsets(%arg7 : memref<10000xi32, #tpu.memory_space<vmem>>) semaphore(%run_scoped3A : memref<!tpu.dma_semaphore, #tpu.memory_space<semaphore_mem>>) {add = true}
        %dma_wait3A = arith.constant 0 : i32
        %dma_wait3A_26 = tpu.memref_slice %arg12[%dma_wait3A] : memref<100352xf32, #tpu.memory_space<vmem_shared>> -> memref<100352xf32, #tpu.memory_space<vmem_shared>>
        tpu.wait_indirect_dma semaphore(%run_scoped3A : memref<!tpu.dma_semaphore, #tpu.memory_space<semaphore_mem>>) src(%arg8 : memref<10000xf32, #tpu.memory_space<vmem>>) dst(%dma_wait3A_26 : memref<100352xf32, #tpu.memory_space<vmem_shared>>)
        tpu.yield
      }) : () -> ()
      %scan3A_24 = arith.constant 0 : i32
      scf.yield %scan3A_24 : i32
    }
    %scan3A_15 = arith.constant 10 : i32
    %barrier3A_16 = arith.constant 0 : index
    tpu.barrier barrier_id(%barrier3A_16)
    "tpu.region"() ({
      %run_scoped3A = tpu.sem_alloc : memref<!tpu.dma_semaphore, #tpu.memory_space<semaphore_mem>>
      %dma_start3A = tpu.memref_slice %arg5[%arg0, %mul3A_2] : memref<2x100352xf32, #tpu.memory_space<hbm>> -> memref<1x6272xf32, #tpu.memory_space<hbm>>
      %dma_start3A_17 = tpu.memref_squeeze %dma_start3A : memref<1x6272xf32, #tpu.memory_space<hbm>> -> memref<6272xf32, #tpu.memory_space<hbm>>
      %dma_start3A_18 = tpu.memref_slice %arg12[%mul3A_2] : memref<100352xf32, #tpu.memory_space<vmem_shared>> -> memref<6272xf32, #tpu.memory_space<vmem_shared>>
      tpu.enqueue_dma source(%dma_start3A_18 : memref<6272xf32, #tpu.memory_space<vmem_shared>>) target(%dma_start3A_17 : memref<6272xf32, #tpu.memory_space<hbm>>) target_semaphore(%run_scoped3A : memref<!tpu.dma_semaphore, #tpu.memory_space<semaphore_mem>>)
      %dma_wait3A = tpu.memref_slice %arg5[%arg0, %mul3A_2] : memref<2x100352xf32, #tpu.memory_space<hbm>> -> memref<1x6272xf32, #tpu.memory_space<hbm>>
      %dma_wait3A_19 = tpu.memref_squeeze %dma_wait3A : memref<1x6272xf32, #tpu.memory_space<hbm>> -> memref<6272xf32, #tpu.memory_space<hbm>>
      %dma_wait3A_20 = tpu.memref_slice %arg12[%mul3A_2] : memref<100352xf32, #tpu.memory_space<vmem_shared>> -> memref<6272xf32, #tpu.memory_space<vmem_shared>>
      tpu.wait_dma2 semaphore(%run_scoped3A : memref<!tpu.dma_semaphore, #tpu.memory_space<semaphore_mem>>) src(%dma_wait3A_20 : memref<6272xf32, #tpu.memory_space<vmem_shared>>) dst(%dma_wait3A_19 : memref<6272xf32, #tpu.memory_space<hbm>>)
      tpu.yield
    }) : () -> ()
    return
  }
}

#map = affine_map<(d0, d1) -> (0)>
#map1 = affine_map<(d0, d1) -> (0, 0)>
module attributes {stable_mosaic.version = 14 : i64} {
  func.func @_pair(%arg0: i32, %arg1: i32, %arg2: memref<100352xf32, #tpu.memory_space<hbm>>, %arg3: memref<100352xf32, #tpu.memory_space<hbm>>, %arg4: memref<2x100352xf32, #tpu.memory_space<hbm>>, %arg5: memref<3200000xi32, #tpu.memory_space<hbm>>, %arg6: memref<3200000xi32, #tpu.memory_space<hbm>>, %arg7: memref<2x100352xf32, #tpu.memory_space<hbm>>, %arg8: memref<2x100352xf32, #tpu.memory_space<hbm>>, %arg9: memref<10000xi32, #tpu.memory_space<vmem>>, %arg10: memref<10000xi32, #tpu.memory_space<vmem>>, %arg11: memref<10000xf32, #tpu.memory_space<vmem>>, %arg12: memref<10000xf32, #tpu.memory_space<vmem>>, %arg13: memref<6272xf32, #tpu.memory_space<vmem>>, %arg14: memref<6272xf32, #tpu.memory_space<vmem>>, %arg15: memref<6272xf32, #tpu.memory_space<vmem>>, %arg16: memref<6272xf32, #tpu.memory_space<vmem>>, %arg17: memref<6272xf32, #tpu.memory_space<vmem>>, %arg18: memref<6272xf32, #tpu.memory_space<vmem>>, %arg19: memref<6272xf32, #tpu.memory_space<vmem>>, %arg20: memref<100352xf32, #tpu.memory_space<vmem_shared>>, %arg21: memref<100352xf32, #tpu.memory_space<vmem_shared>>, %arg22: memref<100352xf32, #tpu.memory_space<vmem_shared>>, %arg23: memref<100352xf32, #tpu.memory_space<vmem_shared>>) attributes {dimension_semantics = [#tpu.dimension_semantics<core_parallel>, #tpu.dimension_semantics<subcore_parallel>], iteration_bounds = array<i64: 2, 16>, scalar_prefetch = 0 : i64, scratch_operands = 15 : i64, tpu.core_type = #tpu.core_type<sc_vector_subcore>, window_params = [{transform_indices = #map}, {transform_indices = #map}, {transform_indices = #map1}, {transform_indices = #map}, {transform_indices = #map}, {transform_indices = #map1}, {transform_indices = #map1}]} {
    %mul3A = arith.constant 16 : i32
    %mul3A_0 = arith.muli %arg0, %mul3A : i32
    %add3A = arith.addi %mul3A_0, %arg1 : i32
    %mul3A_1 = arith.constant 6272 : i32
    %mul3A_2 = arith.muli %arg1, %mul3A_1 : i32
    "tpu.region"() ({
      %run_scoped3A_25 = tpu.sem_alloc : memref<!tpu.dma_semaphore, #tpu.memory_space<semaphore_mem>>
      %dma_start3A = tpu.memref_slice %arg2[%mul3A_2] : memref<100352xf32, #tpu.memory_space<hbm>> -> memref<6272xf32, #tpu.memory_space<hbm>>
      %dma_start3A_26 = tpu.memref_slice %arg2[%mul3A_2] : memref<100352xf32, #tpu.memory_space<hbm>> -> memref<6272xf32, #tpu.memory_space<hbm>>
      tpu.enqueue_dma source(%dma_start3A_26 : memref<6272xf32, #tpu.memory_space<hbm>>) target(%arg13 : memref<6272xf32, #tpu.memory_space<vmem>>) target_semaphore(%run_scoped3A_25 : memref<!tpu.dma_semaphore, #tpu.memory_space<semaphore_mem>>)
      %dma_wait3A = tpu.memref_slice %arg2[%mul3A_2] : memref<100352xf32, #tpu.memory_space<hbm>> -> memref<6272xf32, #tpu.memory_space<hbm>>
      %dma_wait3A_27 = tpu.memref_slice %arg2[%mul3A_2] : memref<100352xf32, #tpu.memory_space<hbm>> -> memref<6272xf32, #tpu.memory_space<hbm>>
      tpu.wait_dma2 semaphore(%run_scoped3A_25 : memref<!tpu.dma_semaphore, #tpu.memory_space<semaphore_mem>>) src(%dma_wait3A_27 : memref<6272xf32, #tpu.memory_space<hbm>>) dst(%arg13 : memref<6272xf32, #tpu.memory_space<vmem>>)
      tpu.yield
    }) : () -> ()
    "tpu.region"() ({
      %run_scoped3A_25 = tpu.sem_alloc : memref<!tpu.dma_semaphore, #tpu.memory_space<semaphore_mem>>
      %dma_start3A = tpu.memref_slice %arg3[%mul3A_2] : memref<100352xf32, #tpu.memory_space<hbm>> -> memref<6272xf32, #tpu.memory_space<hbm>>
      %dma_start3A_26 = tpu.memref_slice %arg3[%mul3A_2] : memref<100352xf32, #tpu.memory_space<hbm>> -> memref<6272xf32, #tpu.memory_space<hbm>>
      tpu.enqueue_dma source(%dma_start3A_26 : memref<6272xf32, #tpu.memory_space<hbm>>) target(%arg14 : memref<6272xf32, #tpu.memory_space<vmem>>) target_semaphore(%run_scoped3A_25 : memref<!tpu.dma_semaphore, #tpu.memory_space<semaphore_mem>>)
      %dma_wait3A = tpu.memref_slice %arg3[%mul3A_2] : memref<100352xf32, #tpu.memory_space<hbm>> -> memref<6272xf32, #tpu.memory_space<hbm>>
      %dma_wait3A_27 = tpu.memref_slice %arg3[%mul3A_2] : memref<100352xf32, #tpu.memory_space<hbm>> -> memref<6272xf32, #tpu.memory_space<hbm>>
      tpu.wait_dma2 semaphore(%run_scoped3A_25 : memref<!tpu.dma_semaphore, #tpu.memory_space<semaphore_mem>>) src(%dma_wait3A_27 : memref<6272xf32, #tpu.memory_space<hbm>>) dst(%arg14 : memref<6272xf32, #tpu.memory_space<vmem>>)
      tpu.yield
    }) : () -> ()
    %run_scoped3A = arith.constant 0 : i32
    "tpu.region"() ({
      %run_scoped3A_25 = tpu.sem_alloc : memref<!tpu.dma_semaphore, #tpu.memory_space<semaphore_mem>>
      %dma_start3A = tpu.memref_slice %arg4[%run_scoped3A, %mul3A_2] : memref<2x100352xf32, #tpu.memory_space<hbm>> -> memref<1x6272xf32, #tpu.memory_space<hbm>>
      %dma_start3A_26 = tpu.memref_squeeze %dma_start3A : memref<1x6272xf32, #tpu.memory_space<hbm>> -> memref<6272xf32, #tpu.memory_space<hbm>>
      %dma_start3A_27 = tpu.memref_slice %arg4[%run_scoped3A, %mul3A_2] : memref<2x100352xf32, #tpu.memory_space<hbm>> -> memref<1x6272xf32, #tpu.memory_space<hbm>>
      %dma_start3A_28 = tpu.memref_squeeze %dma_start3A_27 : memref<1x6272xf32, #tpu.memory_space<hbm>> -> memref<6272xf32, #tpu.memory_space<hbm>>
      tpu.enqueue_dma source(%dma_start3A_28 : memref<6272xf32, #tpu.memory_space<hbm>>) target(%arg15 : memref<6272xf32, #tpu.memory_space<vmem>>) target_semaphore(%run_scoped3A_25 : memref<!tpu.dma_semaphore, #tpu.memory_space<semaphore_mem>>)
      %dma_wait3A = tpu.memref_slice %arg4[%run_scoped3A, %mul3A_2] : memref<2x100352xf32, #tpu.memory_space<hbm>> -> memref<1x6272xf32, #tpu.memory_space<hbm>>
      %dma_wait3A_29 = tpu.memref_squeeze %dma_wait3A : memref<1x6272xf32, #tpu.memory_space<hbm>> -> memref<6272xf32, #tpu.memory_space<hbm>>
      %dma_wait3A_30 = tpu.memref_slice %arg4[%run_scoped3A, %mul3A_2] : memref<2x100352xf32, #tpu.memory_space<hbm>> -> memref<1x6272xf32, #tpu.memory_space<hbm>>
      %dma_wait3A_31 = tpu.memref_squeeze %dma_wait3A_30 : memref<1x6272xf32, #tpu.memory_space<hbm>> -> memref<6272xf32, #tpu.memory_space<hbm>>
      tpu.wait_dma2 semaphore(%run_scoped3A_25 : memref<!tpu.dma_semaphore, #tpu.memory_space<semaphore_mem>>) src(%dma_wait3A_31 : memref<6272xf32, #tpu.memory_space<hbm>>) dst(%arg15 : memref<6272xf32, #tpu.memory_space<vmem>>)
      tpu.yield
    }) : () -> ()
    %run_scoped3A_3 = arith.constant 1 : i32
    "tpu.region"() ({
      %run_scoped3A_25 = tpu.sem_alloc : memref<!tpu.dma_semaphore, #tpu.memory_space<semaphore_mem>>
      %dma_start3A = tpu.memref_slice %arg4[%run_scoped3A_3, %mul3A_2] : memref<2x100352xf32, #tpu.memory_space<hbm>> -> memref<1x6272xf32, #tpu.memory_space<hbm>>
      %dma_start3A_26 = tpu.memref_squeeze %dma_start3A : memref<1x6272xf32, #tpu.memory_space<hbm>> -> memref<6272xf32, #tpu.memory_space<hbm>>
      %dma_start3A_27 = tpu.memref_slice %arg4[%run_scoped3A_3, %mul3A_2] : memref<2x100352xf32, #tpu.memory_space<hbm>> -> memref<1x6272xf32, #tpu.memory_space<hbm>>
      %dma_start3A_28 = tpu.memref_squeeze %dma_start3A_27 : memref<1x6272xf32, #tpu.memory_space<hbm>> -> memref<6272xf32, #tpu.memory_space<hbm>>
      tpu.enqueue_dma source(%dma_start3A_28 : memref<6272xf32, #tpu.memory_space<hbm>>) target(%arg16 : memref<6272xf32, #tpu.memory_space<vmem>>) target_semaphore(%run_scoped3A_25 : memref<!tpu.dma_semaphore, #tpu.memory_space<semaphore_mem>>)
      %dma_wait3A = tpu.memref_slice %arg4[%run_scoped3A_3, %mul3A_2] : memref<2x100352xf32, #tpu.memory_space<hbm>> -> memref<1x6272xf32, #tpu.memory_space<hbm>>
      %dma_wait3A_29 = tpu.memref_squeeze %dma_wait3A : memref<1x6272xf32, #tpu.memory_space<hbm>> -> memref<6272xf32, #tpu.memory_space<hbm>>
      %dma_wait3A_30 = tpu.memref_slice %arg4[%run_scoped3A_3, %mul3A_2] : memref<2x100352xf32, #tpu.memory_space<hbm>> -> memref<1x6272xf32, #tpu.memory_space<hbm>>
      %dma_wait3A_31 = tpu.memref_squeeze %dma_wait3A_30 : memref<1x6272xf32, #tpu.memory_space<hbm>> -> memref<6272xf32, #tpu.memory_space<hbm>>
      tpu.wait_dma2 semaphore(%run_scoped3A_25 : memref<!tpu.dma_semaphore, #tpu.memory_space<semaphore_mem>>) src(%dma_wait3A_31 : memref<6272xf32, #tpu.memory_space<hbm>>) dst(%arg16 : memref<6272xf32, #tpu.memory_space<vmem>>)
      tpu.yield
    }) : () -> ()
    %scan3A = arith.constant 0 : i32
    %scan3A_4 = arith.constant 0 : i32
    %scan3A_5 = arith.constant 392 : i32
    %scan3A_6 = arith.addi %scan3A_4, %scan3A_5 : i32
    %scan3A_7 = arith.constant 1 : i32
    %scan3A_8 = scf.for %scan3A_25 = %scan3A_4 to %scan3A_6 step %scan3A_7 iter_args(%scan3A_26 = %scan3A) -> (i32)  : i32 {
      %mul3A_27 = arith.constant 16 : i32
      %mul3A_28 = arith.muli %scan3A_25, %mul3A_27 : i32
      %get3A = arith.index_cast %mul3A_28 : i32 to index
      %get3A_29 = tpu.vector_load %arg14[%get3A] {strides = array<i32>} : memref<6272xf32, #tpu.memory_space<vmem>>, vector<16xf32>,
      %get3A_30 = vector.shape_cast %get3A_29 : vector<16xf32> to vector<16xf32>
      %get3A_31 = arith.index_cast %mul3A_28 : i32 to index
      %get3A_32 = tpu.vector_load %arg15[%get3A_31] {strides = array<i32>} : memref<6272xf32, #tpu.memory_space<vmem>>, vector<16xf32>,
      %get3A_33 = vector.shape_cast %get3A_32 : vector<16xf32> to vector<16xf32>
      %get3A_34 = arith.index_cast %mul3A_28 : i32 to index
      %get3A_35 = tpu.vector_load %arg16[%get3A_34] {strides = array<i32>} : memref<6272xf32, #tpu.memory_space<vmem>>, vector<16xf32>,
      %get3A_36 = vector.shape_cast %get3A_35 : vector<16xf32> to vector<16xf32>
      %add3A_37 = arith.addf %get3A_33, %get3A_36 : vector<16xf32>
      %get3A_38 = arith.index_cast %mul3A_28 : i32 to index
      %get3A_39 = tpu.vector_load %arg13[%get3A_38] {strides = array<i32>} : memref<6272xf32, #tpu.memory_space<vmem>>, vector<16xf32>,
      %get3A_40 = vector.shape_cast %get3A_39 : vector<16xf32> to vector<16xf32>
      %add3A_41 = arith.addf %add3A_37, %get3A_40 : vector<16xf32>
      %mul3A_42 = arith.mulf %get3A_30, %add3A_41 : vector<16xf32>
      %get3A_43 = arith.index_cast %mul3A_28 : i32 to index
      %get3A_44 = tpu.vector_load %arg14[%get3A_43] {strides = array<i32>} : memref<6272xf32, #tpu.memory_space<vmem>>, vector<16xf32>,
      %get3A_45 = vector.shape_cast %get3A_44 : vector<16xf32> to vector<16xf32>
      %max3A = arith.constant 0.000000e+00 : f32
      %max3A_46 = vector.broadcast %max3A : f32 to vector<16xf32>
      %max3A_47 = arith.maximumf %mul3A_42, %max3A_46 : vector<16xf32>
      %mul3A_48 = arith.mulf %get3A_45, %max3A_47 : vector<16xf32>
      %swap3A = arith.index_cast %mul3A_28 : i32 to index
      %swap3A_49 = tpu.vector_load %arg17[%swap3A] {strides = array<i32>} : memref<6272xf32, #tpu.memory_space<vmem>>, vector<16xf32>,
      %swap3A_50 = vector.shape_cast %swap3A_49 : vector<16xf32> to vector<16xf32>
      %swap3A_51 = vector.shape_cast %mul3A_48 : vector<16xf32> to vector<16xf32>
      tpu.vector_store %arg17[%swap3A], %swap3A_51 {strides = array<i32>} : memref<6272xf32, #tpu.memory_space<vmem>>, vector<16xf32>,
      %get3A_52 = arith.index_cast %mul3A_28 : i32 to index
      %get3A_53 = tpu.vector_load %arg14[%get3A_52] {strides = array<i32>} : memref<6272xf32, #tpu.memory_space<vmem>>, vector<16xf32>,
      %get3A_54 = vector.shape_cast %get3A_53 : vector<16xf32> to vector<16xf32>
      %min3A = arith.constant 0.000000e+00 : f32
      %min3A_55 = vector.broadcast %min3A : f32 to vector<16xf32>
      %min3A_56 = arith.minimumf %mul3A_42, %min3A_55 : vector<16xf32>
      %mul3A_57 = arith.mulf %get3A_54, %min3A_56 : vector<16xf32>
      %swap3A_58 = arith.index_cast %mul3A_28 : i32 to index
      %swap3A_59 = tpu.vector_load %arg18[%swap3A_58] {strides = array<i32>} : memref<6272xf32, #tpu.memory_space<vmem>>, vector<16xf32>,
      %swap3A_60 = vector.shape_cast %swap3A_59 : vector<16xf32> to vector<16xf32>
      %swap3A_61 = vector.shape_cast %mul3A_57 : vector<16xf32> to vector<16xf32>
      tpu.vector_store %arg18[%swap3A_58], %swap3A_61 {strides = array<i32>} : memref<6272xf32, #tpu.memory_space<vmem>>, vector<16xf32>,
      %scan3A_62 = arith.constant 0 : i32
      scf.yield %scan3A_62 : i32
    }
    %scan3A_9 = arith.constant 392 : i32
    "tpu.region"() ({
      %run_scoped3A_25 = tpu.sem_alloc : memref<!tpu.dma_semaphore, #tpu.memory_space<semaphore_mem>>
      %dma_start3A = tpu.memref_slice %arg20[%mul3A_2] : memref<100352xf32, #tpu.memory_space<vmem_shared>> -> memref<6272xf32, #tpu.memory_space<vmem_shared>>
      %dma_start3A_26 = tpu.memref_slice %arg20[%mul3A_2] : memref<100352xf32, #tpu.memory_space<vmem_shared>> -> memref<6272xf32, #tpu.memory_space<vmem_shared>>
      tpu.enqueue_dma source(%arg17 : memref<6272xf32, #tpu.memory_space<vmem>>) target(%dma_start3A_26 : memref<6272xf32, #tpu.memory_space<vmem_shared>>) target_semaphore(%run_scoped3A_25 : memref<!tpu.dma_semaphore, #tpu.memory_space<semaphore_mem>>)
      %dma_wait3A = tpu.memref_slice %arg20[%mul3A_2] : memref<100352xf32, #tpu.memory_space<vmem_shared>> -> memref<6272xf32, #tpu.memory_space<vmem_shared>>
      %dma_wait3A_27 = tpu.memref_slice %arg20[%mul3A_2] : memref<100352xf32, #tpu.memory_space<vmem_shared>> -> memref<6272xf32, #tpu.memory_space<vmem_shared>>
      tpu.wait_dma2 semaphore(%run_scoped3A_25 : memref<!tpu.dma_semaphore, #tpu.memory_space<semaphore_mem>>) src(%arg17 : memref<6272xf32, #tpu.memory_space<vmem>>) dst(%dma_wait3A_27 : memref<6272xf32, #tpu.memory_space<vmem_shared>>)
      tpu.yield
    }) : () -> ()
    "tpu.region"() ({
      %run_scoped3A_25 = tpu.sem_alloc : memref<!tpu.dma_semaphore, #tpu.memory_space<semaphore_mem>>
      %dma_start3A = tpu.memref_slice %arg21[%mul3A_2] : memref<100352xf32, #tpu.memory_space<vmem_shared>> -> memref<6272xf32, #tpu.memory_space<vmem_shared>>
      %dma_start3A_26 = tpu.memref_slice %arg21[%mul3A_2] : memref<100352xf32, #tpu.memory_space<vmem_shared>> -> memref<6272xf32, #tpu.memory_space<vmem_shared>>
      tpu.enqueue_dma source(%arg18 : memref<6272xf32, #tpu.memory_space<vmem>>) target(%dma_start3A_26 : memref<6272xf32, #tpu.memory_space<vmem_shared>>) target_semaphore(%run_scoped3A_25 : memref<!tpu.dma_semaphore, #tpu.memory_space<semaphore_mem>>)
      %dma_wait3A = tpu.memref_slice %arg21[%mul3A_2] : memref<100352xf32, #tpu.memory_space<vmem_shared>> -> memref<6272xf32, #tpu.memory_space<vmem_shared>>
      %dma_wait3A_27 = tpu.memref_slice %arg21[%mul3A_2] : memref<100352xf32, #tpu.memory_space<vmem_shared>> -> memref<6272xf32, #tpu.memory_space<vmem_shared>>
      tpu.wait_dma2 semaphore(%run_scoped3A_25 : memref<!tpu.dma_semaphore, #tpu.memory_space<semaphore_mem>>) src(%arg18 : memref<6272xf32, #tpu.memory_space<vmem>>) dst(%dma_wait3A_27 : memref<6272xf32, #tpu.memory_space<vmem_shared>>)
      tpu.yield
    }) : () -> ()
    %scan3A_10 = arith.constant 0 : i32
    %scan3A_11 = arith.constant 0 : i32
    %scan3A_12 = arith.constant 392 : i32
    %scan3A_13 = arith.addi %scan3A_11, %scan3A_12 : i32
    %scan3A_14 = arith.constant 1 : i32
    %scan3A_15 = scf.for %scan3A_25 = %scan3A_11 to %scan3A_13 step %scan3A_14 iter_args(%scan3A_26 = %scan3A_10) -> (i32)  : i32 {
      %broadcast_in_dim3A = arith.constant 0.000000e+00 : f32
      %broadcast_in_dim3A_27 = vector.broadcast %broadcast_in_dim3A : f32 to vector<16xf32>
      %mul3A_28 = arith.constant 16 : i32
      %mul3A_29 = arith.muli %scan3A_25, %mul3A_28 : i32
      %swap3A = arith.index_cast %mul3A_29 : i32 to index
      %swap3A_30 = tpu.vector_load %arg19[%swap3A] {strides = array<i32>} : memref<6272xf32, #tpu.memory_space<vmem>>, vector<16xf32>,
      %swap3A_31 = vector.shape_cast %swap3A_30 : vector<16xf32> to vector<16xf32>
      %swap3A_32 = vector.shape_cast %broadcast_in_dim3A_27 : vector<16xf32> to vector<16xf32>
      tpu.vector_store %arg19[%swap3A], %swap3A_32 {strides = array<i32>} : memref<6272xf32, #tpu.memory_space<vmem>>, vector<16xf32>,
      %scan3A_33 = arith.constant 0 : i32
      scf.yield %scan3A_33 : i32
    }
    %scan3A_16 = arith.constant 392 : i32
    "tpu.region"() ({
      %run_scoped3A_25 = tpu.sem_alloc : memref<!tpu.dma_semaphore, #tpu.memory_space<semaphore_mem>>
      %dma_start3A = tpu.memref_slice %arg22[%mul3A_2] : memref<100352xf32, #tpu.memory_space<vmem_shared>> -> memref<6272xf32, #tpu.memory_space<vmem_shared>>
      %dma_start3A_26 = tpu.memref_slice %arg22[%mul3A_2] : memref<100352xf32, #tpu.memory_space<vmem_shared>> -> memref<6272xf32, #tpu.memory_space<vmem_shared>>
      tpu.enqueue_dma source(%arg19 : memref<6272xf32, #tpu.memory_space<vmem>>) target(%dma_start3A_26 : memref<6272xf32, #tpu.memory_space<vmem_shared>>) target_semaphore(%run_scoped3A_25 : memref<!tpu.dma_semaphore, #tpu.memory_space<semaphore_mem>>)
      %dma_wait3A = tpu.memref_slice %arg22[%mul3A_2] : memref<100352xf32, #tpu.memory_space<vmem_shared>> -> memref<6272xf32, #tpu.memory_space<vmem_shared>>
      %dma_wait3A_27 = tpu.memref_slice %arg22[%mul3A_2] : memref<100352xf32, #tpu.memory_space<vmem_shared>> -> memref<6272xf32, #tpu.memory_space<vmem_shared>>
      tpu.wait_dma2 semaphore(%run_scoped3A_25 : memref<!tpu.dma_semaphore, #tpu.memory_space<semaphore_mem>>) src(%arg19 : memref<6272xf32, #tpu.memory_space<vmem>>) dst(%dma_wait3A_27 : memref<6272xf32, #tpu.memory_space<vmem_shared>>)
      tpu.yield
    }) : () -> ()
    "tpu.region"() ({
      %run_scoped3A_25 = tpu.sem_alloc : memref<!tpu.dma_semaphore, #tpu.memory_space<semaphore_mem>>
      %dma_start3A = tpu.memref_slice %arg23[%mul3A_2] : memref<100352xf32, #tpu.memory_space<vmem_shared>> -> memref<6272xf32, #tpu.memory_space<vmem_shared>>
      %dma_start3A_26 = tpu.memref_slice %arg23[%mul3A_2] : memref<100352xf32, #tpu.memory_space<vmem_shared>> -> memref<6272xf32, #tpu.memory_space<vmem_shared>>
      tpu.enqueue_dma source(%arg19 : memref<6272xf32, #tpu.memory_space<vmem>>) target(%dma_start3A_26 : memref<6272xf32, #tpu.memory_space<vmem_shared>>) target_semaphore(%run_scoped3A_25 : memref<!tpu.dma_semaphore, #tpu.memory_space<semaphore_mem>>)
      %dma_wait3A = tpu.memref_slice %arg23[%mul3A_2] : memref<100352xf32, #tpu.memory_space<vmem_shared>> -> memref<6272xf32, #tpu.memory_space<vmem_shared>>
      %dma_wait3A_27 = tpu.memref_slice %arg23[%mul3A_2] : memref<100352xf32, #tpu.memory_space<vmem_shared>> -> memref<6272xf32, #tpu.memory_space<vmem_shared>>
      tpu.wait_dma2 semaphore(%run_scoped3A_25 : memref<!tpu.dma_semaphore, #tpu.memory_space<semaphore_mem>>) src(%arg19 : memref<6272xf32, #tpu.memory_space<vmem>>) dst(%dma_wait3A_27 : memref<6272xf32, #tpu.memory_space<vmem_shared>>)
      tpu.yield
    }) : () -> ()
    %barrier3A = arith.constant 0 : index
    tpu.barrier barrier_id(%barrier3A)
    %scan3A_17 = arith.constant 0 : i32
    %scan3A_18 = arith.constant 0 : i32
    %scan3A_19 = arith.constant 10 : i32
    %scan3A_20 = arith.addi %scan3A_18, %scan3A_19 : i32
    %scan3A_21 = arith.constant 1 : i32
    %scan3A_22 = scf.for %scan3A_25 = %scan3A_18 to %scan3A_20 step %scan3A_21 iter_args(%scan3A_26 = %scan3A_17) -> (i32)  : i32 {
      %mul3A_27 = arith.constant 100000 : i32
      %mul3A_28 = arith.muli %add3A, %mul3A_27 : i32
      %mul3A_29 = arith.constant 10000 : i32
      %mul3A_30 = arith.muli %scan3A_25, %mul3A_29 : i32
      %add3A_31 = arith.addi %mul3A_28, %mul3A_30 : i32
      "tpu.region"() ({
        %run_scoped3A_33 = tpu.sem_alloc : memref<!tpu.dma_semaphore, #tpu.memory_space<semaphore_mem>>
        %dma_start3A = tpu.memref_slice %arg5[%add3A_31] : memref<3200000xi32, #tpu.memory_space<hbm>> -> memref<10000xi32, #tpu.memory_space<hbm>>
        %dma_start3A_34 = tpu.memref_slice %arg5[%add3A_31] : memref<3200000xi32, #tpu.memory_space<hbm>> -> memref<10000xi32, #tpu.memory_space<hbm>>
        tpu.enqueue_dma source(%dma_start3A_34 : memref<10000xi32, #tpu.memory_space<hbm>>) target(%arg9 : memref<10000xi32, #tpu.memory_space<vmem>>) target_semaphore(%run_scoped3A_33 : memref<!tpu.dma_semaphore, #tpu.memory_space<semaphore_mem>>)
        %dma_wait3A = tpu.memref_slice %arg5[%add3A_31] : memref<3200000xi32, #tpu.memory_space<hbm>> -> memref<10000xi32, #tpu.memory_space<hbm>>
        %dma_wait3A_35 = tpu.memref_slice %arg5[%add3A_31] : memref<3200000xi32, #tpu.memory_space<hbm>> -> memref<10000xi32, #tpu.memory_space<hbm>>
        tpu.wait_dma2 semaphore(%run_scoped3A_33 : memref<!tpu.dma_semaphore, #tpu.memory_space<semaphore_mem>>) src(%dma_wait3A_35 : memref<10000xi32, #tpu.memory_space<hbm>>) dst(%arg9 : memref<10000xi32, #tpu.memory_space<vmem>>)
        tpu.yield
      }) : () -> ()
      "tpu.region"() ({
        %run_scoped3A_33 = tpu.sem_alloc : memref<!tpu.dma_semaphore, #tpu.memory_space<semaphore_mem>>
        %dma_start3A = tpu.memref_slice %arg6[%add3A_31] : memref<3200000xi32, #tpu.memory_space<hbm>> -> memref<10000xi32, #tpu.memory_space<hbm>>
        %dma_start3A_34 = tpu.memref_slice %arg6[%add3A_31] : memref<3200000xi32, #tpu.memory_space<hbm>> -> memref<10000xi32, #tpu.memory_space<hbm>>
        tpu.enqueue_dma source(%dma_start3A_34 : memref<10000xi32, #tpu.memory_space<hbm>>) target(%arg10 : memref<10000xi32, #tpu.memory_space<vmem>>) target_semaphore(%run_scoped3A_33 : memref<!tpu.dma_semaphore, #tpu.memory_space<semaphore_mem>>)
        %dma_wait3A = tpu.memref_slice %arg6[%add3A_31] : memref<3200000xi32, #tpu.memory_space<hbm>> -> memref<10000xi32, #tpu.memory_space<hbm>>
        %dma_wait3A_35 = tpu.memref_slice %arg6[%add3A_31] : memref<3200000xi32, #tpu.memory_space<hbm>> -> memref<10000xi32, #tpu.memory_space<hbm>>
        tpu.wait_dma2 semaphore(%run_scoped3A_33 : memref<!tpu.dma_semaphore, #tpu.memory_space<semaphore_mem>>) src(%dma_wait3A_35 : memref<10000xi32, #tpu.memory_space<hbm>>) dst(%arg10 : memref<10000xi32, #tpu.memory_space<vmem>>)
        tpu.yield
      }) : () -> ()
      "tpu.region"() ({
        %run_scoped3A_33 = tpu.sem_alloc : memref<!tpu.dma_semaphore, #tpu.memory_space<semaphore_mem>>
        %dma_start3A = arith.constant 0 : i32
        %dma_start3A_34 = tpu.memref_slice %arg20[%dma_start3A] : memref<100352xf32, #tpu.memory_space<vmem_shared>> -> memref<100352xf32, #tpu.memory_space<vmem_shared>>
        tpu.enqueue_indirect_dma source(%dma_start3A_34 : memref<100352xf32, #tpu.memory_space<vmem_shared>>) target(%arg11 : memref<10000xf32, #tpu.memory_space<vmem>>) offsets(%arg9 : memref<10000xi32, #tpu.memory_space<vmem>>) semaphore(%run_scoped3A_33 : memref<!tpu.dma_semaphore, #tpu.memory_space<semaphore_mem>>)
        %dma_wait3A = arith.constant 0 : i32
        %dma_wait3A_35 = tpu.memref_slice %arg20[%dma_wait3A] : memref<100352xf32, #tpu.memory_space<vmem_shared>> -> memref<100352xf32, #tpu.memory_space<vmem_shared>>
        tpu.wait_indirect_dma semaphore(%run_scoped3A_33 : memref<!tpu.dma_semaphore, #tpu.memory_space<semaphore_mem>>) src(%dma_wait3A_35 : memref<100352xf32, #tpu.memory_space<vmem_shared>>) dst(%arg11 : memref<10000xf32, #tpu.memory_space<vmem>>)
        tpu.yield
      }) : () -> ()
      "tpu.region"() ({
        %run_scoped3A_33 = tpu.sem_alloc : memref<!tpu.dma_semaphore, #tpu.memory_space<semaphore_mem>>
        %dma_start3A = arith.constant 0 : i32
        %dma_start3A_34 = tpu.memref_slice %arg21[%dma_start3A] : memref<100352xf32, #tpu.memory_space<vmem_shared>> -> memref<100352xf32, #tpu.memory_space<vmem_shared>>
        tpu.enqueue_indirect_dma source(%dma_start3A_34 : memref<100352xf32, #tpu.memory_space<vmem_shared>>) target(%arg12 : memref<10000xf32, #tpu.memory_space<vmem>>) offsets(%arg9 : memref<10000xi32, #tpu.memory_space<vmem>>) semaphore(%run_scoped3A_33 : memref<!tpu.dma_semaphore, #tpu.memory_space<semaphore_mem>>)
        %dma_wait3A = arith.constant 0 : i32
        %dma_wait3A_35 = tpu.memref_slice %arg21[%dma_wait3A] : memref<100352xf32, #tpu.memory_space<vmem_shared>> -> memref<100352xf32, #tpu.memory_space<vmem_shared>>
        tpu.wait_indirect_dma semaphore(%run_scoped3A_33 : memref<!tpu.dma_semaphore, #tpu.memory_space<semaphore_mem>>) src(%dma_wait3A_35 : memref<100352xf32, #tpu.memory_space<vmem_shared>>) dst(%arg12 : memref<10000xf32, #tpu.memory_space<vmem>>)
        tpu.yield
      }) : () -> ()
      "tpu.region"() ({
        %run_scoped3A_33 = tpu.sem_alloc : memref<!tpu.dma_semaphore, #tpu.memory_space<semaphore_mem>>
        %dma_start3A = arith.constant 0 : i32
        %dma_start3A_34 = tpu.memref_slice %arg22[%dma_start3A] : memref<100352xf32, #tpu.memory_space<vmem_shared>> -> memref<100352xf32, #tpu.memory_space<vmem_shared>>
        tpu.enqueue_indirect_dma source(%arg11 : memref<10000xf32, #tpu.memory_space<vmem>>) target(%dma_start3A_34 : memref<100352xf32, #tpu.memory_space<vmem_shared>>) offsets(%arg10 : memref<10000xi32, #tpu.memory_space<vmem>>) semaphore(%run_scoped3A_33 : memref<!tpu.dma_semaphore, #tpu.memory_space<semaphore_mem>>) {add = true}
        %dma_wait3A = arith.constant 0 : i32
        %dma_wait3A_35 = tpu.memref_slice %arg22[%dma_wait3A] : memref<100352xf32, #tpu.memory_space<vmem_shared>> -> memref<100352xf32, #tpu.memory_space<vmem_shared>>
        tpu.wait_indirect_dma semaphore(%run_scoped3A_33 : memref<!tpu.dma_semaphore, #tpu.memory_space<semaphore_mem>>) src(%arg11 : memref<10000xf32, #tpu.memory_space<vmem>>) dst(%dma_wait3A_35 : memref<100352xf32, #tpu.memory_space<vmem_shared>>)
        tpu.yield
      }) : () -> ()
      "tpu.region"() ({
        %run_scoped3A_33 = tpu.sem_alloc : memref<!tpu.dma_semaphore, #tpu.memory_space<semaphore_mem>>
        %dma_start3A = arith.constant 0 : i32
        %dma_start3A_34 = tpu.memref_slice %arg23[%dma_start3A] : memref<100352xf32, #tpu.memory_space<vmem_shared>> -> memref<100352xf32, #tpu.memory_space<vmem_shared>>
        tpu.enqueue_indirect_dma source(%arg12 : memref<10000xf32, #tpu.memory_space<vmem>>) target(%dma_start3A_34 : memref<100352xf32, #tpu.memory_space<vmem_shared>>) offsets(%arg10 : memref<10000xi32, #tpu.memory_space<vmem>>) semaphore(%run_scoped3A_33 : memref<!tpu.dma_semaphore, #tpu.memory_space<semaphore_mem>>) {add = true}
        %dma_wait3A = arith.constant 0 : i32
        %dma_wait3A_35 = tpu.memref_slice %arg23[%dma_wait3A] : memref<100352xf32, #tpu.memory_space<vmem_shared>> -> memref<100352xf32, #tpu.memory_space<vmem_shared>>
        tpu.wait_indirect_dma semaphore(%run_scoped3A_33 : memref<!tpu.dma_semaphore, #tpu.memory_space<semaphore_mem>>) src(%arg12 : memref<10000xf32, #tpu.memory_space<vmem>>) dst(%dma_wait3A_35 : memref<100352xf32, #tpu.memory_space<vmem_shared>>)
        tpu.yield
      }) : () -> ()
      %scan3A_32 = arith.constant 0 : i32
      scf.yield %scan3A_32 : i32
    }
    %scan3A_23 = arith.constant 10 : i32
    %barrier3A_24 = arith.constant 0 : index
    tpu.barrier barrier_id(%barrier3A_24)
    "tpu.region"() ({
      %run_scoped3A_25 = tpu.sem_alloc : memref<!tpu.dma_semaphore, #tpu.memory_space<semaphore_mem>>
      %dma_start3A = tpu.memref_slice %arg7[%arg0, %mul3A_2] : memref<2x100352xf32, #tpu.memory_space<hbm>> -> memref<1x6272xf32, #tpu.memory_space<hbm>>
      %dma_start3A_26 = tpu.memref_squeeze %dma_start3A : memref<1x6272xf32, #tpu.memory_space<hbm>> -> memref<6272xf32, #tpu.memory_space<hbm>>
      %dma_start3A_27 = tpu.memref_slice %arg22[%mul3A_2] : memref<100352xf32, #tpu.memory_space<vmem_shared>> -> memref<6272xf32, #tpu.memory_space<vmem_shared>>
      tpu.enqueue_dma source(%dma_start3A_27 : memref<6272xf32, #tpu.memory_space<vmem_shared>>) target(%dma_start3A_26 : memref<6272xf32, #tpu.memory_space<hbm>>) target_semaphore(%run_scoped3A_25 : memref<!tpu.dma_semaphore, #tpu.memory_space<semaphore_mem>>)
      %dma_wait3A = tpu.memref_slice %arg7[%arg0, %mul3A_2] : memref<2x100352xf32, #tpu.memory_space<hbm>> -> memref<1x6272xf32, #tpu.memory_space<hbm>>
      %dma_wait3A_28 = tpu.memref_squeeze %dma_wait3A : memref<1x6272xf32, #tpu.memory_space<hbm>> -> memref<6272xf32, #tpu.memory_space<hbm>>
      %dma_wait3A_29 = tpu.memref_slice %arg22[%mul3A_2] : memref<100352xf32, #tpu.memory_space<vmem_shared>> -> memref<6272xf32, #tpu.memory_space<vmem_shared>>
      tpu.wait_dma2 semaphore(%run_scoped3A_25 : memref<!tpu.dma_semaphore, #tpu.memory_space<semaphore_mem>>) src(%dma_wait3A_29 : memref<6272xf32, #tpu.memory_space<vmem_shared>>) dst(%dma_wait3A_28 : memref<6272xf32, #tpu.memory_space<hbm>>)
      tpu.yield
    }) : () -> ()
    "tpu.region"() ({
      %run_scoped3A_25 = tpu.sem_alloc : memref<!tpu.dma_semaphore, #tpu.memory_space<semaphore_mem>>
      %dma_start3A = tpu.memref_slice %arg8[%arg0, %mul3A_2] : memref<2x100352xf32, #tpu.memory_space<hbm>> -> memref<1x6272xf32, #tpu.memory_space<hbm>>
      %dma_start3A_26 = tpu.memref_squeeze %dma_start3A : memref<1x6272xf32, #tpu.memory_space<hbm>> -> memref<6272xf32, #tpu.memory_space<hbm>>
      %dma_start3A_27 = tpu.memref_slice %arg23[%mul3A_2] : memref<100352xf32, #tpu.memory_space<vmem_shared>> -> memref<6272xf32, #tpu.memory_space<vmem_shared>>
      tpu.enqueue_dma source(%dma_start3A_27 : memref<6272xf32, #tpu.memory_space<vmem_shared>>) target(%dma_start3A_26 : memref<6272xf32, #tpu.memory_space<hbm>>) target_semaphore(%run_scoped3A_25 : memref<!tpu.dma_semaphore, #tpu.memory_space<semaphore_mem>>)
      %dma_wait3A = tpu.memref_slice %arg8[%arg0, %mul3A_2] : memref<2x100352xf32, #tpu.memory_space<hbm>> -> memref<1x6272xf32, #tpu.memory_space<hbm>>
      %dma_wait3A_28 = tpu.memref_squeeze %dma_wait3A : memref<1x6272xf32, #tpu.memory_space<hbm>> -> memref<6272xf32, #tpu.memory_space<hbm>>
      %dma_wait3A_29 = tpu.memref_slice %arg23[%mul3A_2] : memref<100352xf32, #tpu.memory_space<vmem_shared>> -> memref<6272xf32, #tpu.memory_space<vmem_shared>>
      tpu.wait_dma2 semaphore(%run_scoped3A_25 : memref<!tpu.dma_semaphore, #tpu.memory_space<semaphore_mem>>) src(%dma_wait3A_29 : memref<6272xf32, #tpu.memory_space<vmem_shared>>) dst(%dma_wait3A_28 : memref<6272xf32, #tpu.memory_space<hbm>>)
      tpu.yield
    }) : () -> ()
    return
  }
}

module attributes {stable_mosaic.version = 14 : i64} {
  func.func @_prep_body(%arg0: i32, %arg1: memref<112x128xf32, #tpu.memory_space<vmem>>, %arg2: memref<112x128xf32, #tpu.memory_space<vmem>>, %arg3: memref<112x128xf32, #tpu.memory_space<vmem>>, %arg4: memref<112x128xf32, #tpu.memory_space<vmem>>, %arg5: memref<112x128xf32, #tpu.memory_space<vmem>>) attributes {dimension_semantics = [#tpu.dimension_semantics<arbitrary>], iteration_bounds = array<i64: 7>, scalar_prefetch = 0 : i64, scratch_operands = 0 : i64, tpu.core_type = #tpu.core_type<tc>, window_params = [{transform_indices = @transform_0, window_bounds = array<i64: 112, 128>}, {transform_indices = @transform_1, window_bounds = array<i64: 112, 128>}, {transform_indices = @transform_2, window_bounds = array<i64: 112, 128>}, {transform_indices = @transform_3, window_bounds = array<i64: 112, 128>}, {transform_indices = @transform_4, window_bounds = array<i64: 112, 128>}]} {
    %get3A = arith.constant 0 : index
    %get3A_0 = arith.constant 0 : index
    %get3A_1 = vector.load %arg1[%get3A, %get3A_0] : memref<112x128xf32, #tpu.memory_space<vmem>>, vector<112x128xf32>
    %get3A_2 = arith.constant 0 : index
    %get3A_3 = arith.constant 0 : index
    %get3A_4 = vector.load %arg2[%get3A_2, %get3A_3] : memref<112x128xf32, #tpu.memory_space<vmem>>, vector<112x128xf32>
    %add3A = arith.addf %get3A_1, %get3A_4 : vector<112x128xf32>
    %add3A_5 = arith.constant 1.000000e+00 : f32
    %add3A_6 = vector.broadcast %add3A_5 : f32 to vector<112x128xf32>
    %add3A_7 = arith.addf %add3A, %add3A_6 : vector<112x128xf32>
    %rsqrt3A = math.rsqrt %add3A_7 : vector<112x128xf32>
    %mul3A = arith.constant 5.000000e-01 : f32
    %mul3A_8 = vector.broadcast %mul3A : f32 to vector<112x128xf32>
    %mul3A_9 = arith.mulf %mul3A_8, %add3A_7 : vector<112x128xf32>
    %mul3A_10 = arith.mulf %mul3A_9, %rsqrt3A : vector<112x128xf32>
    %mul3A_11 = arith.mulf %mul3A_10, %rsqrt3A : vector<112x128xf32>
    %sub3A = arith.constant 1.500000e+00 : f32
    %sub3A_12 = vector.broadcast %sub3A : f32 to vector<112x128xf32>
    %sub3A_13 = arith.subf %sub3A_12, %mul3A_11 : vector<112x128xf32>
    %mul3A_14 = arith.mulf %rsqrt3A, %sub3A_13 : vector<112x128xf32>
    %swap3A = arith.constant 0 : index
    %swap3A_15 = arith.constant 0 : index
    %swap3A_16 = vector.load %arg5[%swap3A, %swap3A_15] : memref<112x128xf32, #tpu.memory_space<vmem>>, vector<112x128xf32>
    tpu.vector_store %arg5[%swap3A, %swap3A_15], %mul3A_14 {strides = array<i32>} : memref<112x128xf32, #tpu.memory_space<vmem>>, vector<112x128xf32>,
    %get3A_17 = arith.constant 0 : index
    %get3A_18 = arith.constant 0 : index
    %get3A_19 = vector.load %arg3[%get3A_17, %get3A_18] : memref<112x128xf32, #tpu.memory_space<vmem>>, vector<112x128xf32>
    %mul3A_20 = arith.mulf %mul3A_14, %get3A_19 : vector<112x128xf32>
    %swap3A_21 = arith.constant 0 : index
    %swap3A_22 = arith.constant 0 : index
    %swap3A_23 = vector.load %arg4[%swap3A_21, %swap3A_22] : memref<112x128xf32, #tpu.memory_space<vmem>>, vector<112x128xf32>
    tpu.vector_store %arg4[%swap3A_21, %swap3A_22], %mul3A_20 {strides = array<i32>} : memref<112x128xf32, #tpu.memory_space<vmem>>, vector<112x128xf32>,
    return
  }
  func.func @transform_0(%arg0: i32) -> (i32, i32) {
    %c0_i32 = arith.constant 0 : i32
    %c0_i32_0 = arith.constant 0 : i32
    return %arg0, %c0_i32 : i32, i32
  }
  func.func @transform_1(%arg0: i32) -> (i32, i32) {
    %c0_i32 = arith.constant 0 : i32
    %c0_i32_0 = arith.constant 0 : i32
    return %arg0, %c0_i32 : i32, i32
  }
  func.func @transform_2(%arg0: i32) -> (i32, i32) {
    %c0_i32 = arith.constant 0 : i32
    %c0_i32_0 = arith.constant 0 : i32
    return %arg0, %c0_i32 : i32, i32
  }
  func.func @transform_3(%arg0: i32) -> (i32, i32) {
    %c0_i32 = arith.constant 0 : i32
    %c0_i32_0 = arith.constant 0 : i32
    return %arg0, %c0_i32 : i32, i32
  }
  func.func @transform_4(%arg0: i32) -> (i32, i32) {
    %c0_i32 = arith.constant 0 : i32
    %c0_i32_0 = arith.constant 0 : i32
    return %arg0, %c0_i32 : i32, i32
  }
}

module attributes {stable_mosaic.version = 14 : i64} {
  func.func @_finish_body(%arg0: i32, %arg1: memref<112x128xf32, #tpu.memory_space<vmem>>, %arg2: memref<112x128xf32, #tpu.memory_space<vmem>>, %arg3: memref<112x128xf32, #tpu.memory_space<vmem>>, %arg4: memref<112x128xf32, #tpu.memory_space<vmem>>, %arg5: memref<112x128xf32, #tpu.memory_space<vmem>>, %arg6: memref<112x128xf32, #tpu.memory_space<vmem>>, %arg7: memref<112x128xf32, #tpu.memory_space<vmem>>, %arg8: memref<112x128xf32, #tpu.memory_space<vmem>>, %arg9: memref<1x16xf32, #tpu.memory_space<vmem>>, %arg10: memref<16x16xf32, #tpu.memory_space<vmem>>, %arg11: memref<1x16xf32, #tpu.memory_space<vmem>>, %arg12: memref<1x16xf32, #tpu.memory_space<vmem>>, %arg13: memref<1x1xf32, #tpu.memory_space<vmem>>, %arg14: memref<112x128xf32, #tpu.memory_space<vmem>>) attributes {dimension_semantics = [#tpu.dimension_semantics<arbitrary>], iteration_bounds = array<i64: 7>, scalar_prefetch = 0 : i64, scratch_operands = 0 : i64, tpu.core_type = #tpu.core_type<tc>, window_params = [{transform_indices = @transform_0, window_bounds = array<i64: 112, 128>}, {transform_indices = @transform_1, window_bounds = array<i64: 112, 128>}, {transform_indices = @transform_2, window_bounds = array<i64: 112, 128>}, {transform_indices = @transform_3, window_bounds = array<i64: 112, 128>}, {transform_indices = @transform_4, window_bounds = array<i64: 112, 128>}, {transform_indices = @transform_5, window_bounds = array<i64: 112, 128>}, {transform_indices = @transform_6, window_bounds = array<i64: 112, 128>}, {transform_indices = @transform_7, window_bounds = array<i64: 112, 128>}, {pipeline_mode = #tpu.pipeline_mode<synchronous>, transform_indices = @transform_8, window_bounds = array<i64: 1, 16>}, {pipeline_mode = #tpu.pipeline_mode<synchronous>, transform_indices = @transform_9, window_bounds = array<i64: 16, 16>}, {pipeline_mode = #tpu.pipeline_mode<synchronous>, transform_indices = @transform_10, window_bounds = array<i64: 1, 16>}, {pipeline_mode = #tpu.pipeline_mode<synchronous>, transform_indices = @transform_11, window_bounds = array<i64: 1, 16>}, {pipeline_mode = #tpu.pipeline_mode<synchronous>, transform_indices = @transform_12, window_bounds = array<i64: 1, 1>}, {transform_indices = @transform_13, window_bounds = array<i64: 112, 128>}]} {
    %get3A = arith.constant 0 : index
    %get3A_0 = arith.constant 0 : index
    %get3A_1 = vector.load %arg2[%get3A, %get3A_0] : memref<112x128xf32, #tpu.memory_space<vmem>>, vector<112x128xf32>
    %get3A_2 = arith.constant 0 : index
    %get3A_3 = arith.constant 0 : index
    %get3A_4 = vector.load %arg3[%get3A_2, %get3A_3] : memref<112x128xf32, #tpu.memory_space<vmem>>, vector<112x128xf32>
    %get3A_5 = arith.constant 0 : index
    %get3A_6 = arith.constant 0 : index
    %get3A_7 = vector.load %arg4[%get3A_5, %get3A_6] : memref<112x128xf32, #tpu.memory_space<vmem>>, vector<112x128xf32>
    %add3A = arith.addf %get3A_4, %get3A_7 : vector<112x128xf32>
    %get3A_8 = arith.constant 0 : index
    %get3A_9 = arith.constant 0 : index
    %get3A_10 = vector.load %arg1[%get3A_8, %get3A_9] : memref<112x128xf32, #tpu.memory_space<vmem>>, vector<112x128xf32>
    %add3A_11 = arith.addf %add3A, %get3A_10 : vector<112x128xf32>
    %mul3A = arith.mulf %get3A_1, %add3A_11 : vector<112x128xf32>
    %max3A = arith.constant 0.000000e+00 : f32
    %max3A_12 = vector.broadcast %max3A : f32 to vector<112x128xf32>
    %max3A_13 = arith.maximumf %mul3A, %max3A_12 : vector<112x128xf32>
    %mul3A_14 = arith.mulf %get3A_1, %max3A_13 : vector<112x128xf32>
    %min3A = arith.constant 0.000000e+00 : f32
    %min3A_15 = vector.broadcast %min3A : f32 to vector<112x128xf32>
    %min3A_16 = arith.minimumf %mul3A, %min3A_15 : vector<112x128xf32>
    %mul3A_17 = arith.mulf %get3A_1, %min3A_16 : vector<112x128xf32>
    %get3A_18 = arith.constant 0 : index
    %get3A_19 = arith.constant 0 : index
    %get3A_20 = vector.load %arg5[%get3A_18, %get3A_19] : memref<112x128xf32, #tpu.memory_space<vmem>>, vector<112x128xf32>
    %get3A_21 = arith.constant 0 : index
    %get3A_22 = arith.constant 0 : index
    %get3A_23 = vector.load %arg6[%get3A_21, %get3A_22] : memref<112x128xf32, #tpu.memory_space<vmem>>, vector<112x128xf32>
    %add3A_24 = arith.addf %get3A_20, %get3A_23 : vector<112x128xf32>
    %add3A_25 = arith.addf %add3A_24, %mul3A_14 : vector<112x128xf32>
    %mul3A_26 = arith.mulf %get3A_1, %add3A_25 : vector<112x128xf32>
    %get3A_27 = arith.constant 0 : index
    %get3A_28 = arith.constant 0 : index
    %get3A_29 = vector.load %arg7[%get3A_27, %get3A_28] : memref<112x128xf32, #tpu.memory_space<vmem>>, vector<112x128xf32>
    %get3A_30 = arith.constant 0 : index
    %get3A_31 = arith.constant 0 : index
    %get3A_32 = vector.load %arg8[%get3A_30, %get3A_31] : memref<112x128xf32, #tpu.memory_space<vmem>>, vector<112x128xf32>
    %add3A_33 = arith.addf %get3A_29, %get3A_32 : vector<112x128xf32>
    %add3A_34 = arith.addf %add3A_33, %mul3A_17 : vector<112x128xf32>
    %mul3A_35 = arith.mulf %get3A_1, %add3A_34 : vector<112x128xf32>
    %get3A_36 = arith.constant 0 : index
    %get3A_37 = arith.constant 0 : index
    %get3A_38 = vector.load %arg9[%get3A_36, %get3A_37] : memref<1x16xf32, #tpu.memory_space<vmem>>, vector<1x16xf32>
    %get3A_39 = arith.constant 0 : index
    %get3A_40 = arith.constant 0 : index
    %get3A_41 = vector.load %arg10[%get3A_39, %get3A_40] : memref<16x16xf32, #tpu.memory_space<vmem>>, vector<16x16xf32>
    %convert_element_type3A = arith.truncf %get3A_41 : vector<16x16xf32> to vector<16x16xbf16>
    %convert_element_type3A_42 = arith.extf %convert_element_type3A : vector<16x16xbf16> to vector<16x16xf32>
    %max3A_43 = arith.constant 0.000000e+00 : f32
    %max3A_44 = vector.broadcast %max3A_43 : f32 to vector<1x16xf32>
    %max3A_45 = arith.maximumf %get3A_38, %max3A_44 : vector<1x16xf32>
    %dot_general3A = arith.constant dense<0.000000e+00> : vector<1x16xf32>
    %dot_general3A_46 = tpu.matmul %max3A_45, %convert_element_type3A_42, %dot_general3A {dimension_numbers = #tpu.dot_dimension_numbers<[1], [0], [0], [1], [0, 0, 1, 1], [], []>, precision = #tpu.contract_precision<fp32>, transpose_lhs_hint = false} : vector<1x16xf32>, vector<16x16xf32>, vector<1x16xf32> -> vector<1x16xf32>
    %min3A_47 = arith.constant 0.000000e+00 : f32
    %min3A_48 = vector.broadcast %min3A_47 : f32 to vector<1x16xf32>
    %min3A_49 = arith.minimumf %get3A_38, %min3A_48 : vector<1x16xf32>
    %dot_general3A_50 = arith.constant dense<0.000000e+00> : vector<1x16xf32>
    %dot_general3A_51 = tpu.matmul %min3A_49, %convert_element_type3A_42, %dot_general3A_50 {dimension_numbers = #tpu.dot_dimension_numbers<[1], [0], [0], [1], [0, 0, 1, 1], [], []>, precision = #tpu.contract_precision<fp32>, transpose_lhs_hint = false} : vector<1x16xf32>, vector<16x16xf32>, vector<1x16xf32> -> vector<1x16xf32>
    %get3A_52 = arith.constant 0 : index
    %get3A_53 = arith.constant 0 : index
    %get3A_54 = vector.load %arg11[%get3A_52, %get3A_53] : memref<1x16xf32, #tpu.memory_space<vmem>>, vector<1x16xf32>
    %get3A_55 = arith.constant 0 : index
    %get3A_56 = arith.constant 0 : index
    %get3A_57 = vector.load %arg12[%get3A_55, %get3A_56] : memref<1x16xf32, #tpu.memory_space<vmem>>, vector<1x16xf32>
    %convert_element_type3A_58 = arith.truncf %get3A_57 : vector<1x16xf32> to vector<1x16xbf16>
    %convert_element_type3A_59 = arith.extf %convert_element_type3A_58 : vector<1x16xbf16> to vector<1x16xf32>
    %broadcast_in_dim3A = arith.constant 0.000000e+00 : f32
    %broadcast_in_dim3A_60 = vector.broadcast %broadcast_in_dim3A : f32 to vector<112x128xf32>
    %get3A_61 = arith.constant 0 : index
    %get3A_62 = arith.constant 0 : index
    %get3A_63 = vector.load %arg13[%get3A_61, %get3A_62] : memref<1x1xf32, #tpu.memory_space<vmem>>, vector<1x1xf32>
    %add3A_64 = vector.broadcast %get3A_63 : vector<1x1xf32> to vector<112x128xf32>
    %add3A_65 = arith.addf %broadcast_in_dim3A_60, %add3A_64 : vector<112x128xf32>
    %slice3A = vector.extract_strided_slice %dot_general3A_46 {offsets = [0, 0], sizes = [1, 1], strides = [1, 1]} : vector<1x16xf32> to vector<1x1xf32>
    %mul3A_66 = vector.broadcast %slice3A : vector<1x1xf32> to vector<112x128xf32>
    %mul3A_67 = arith.mulf %mul3A_26, %mul3A_66 : vector<112x128xf32>
    %slice3A_68 = vector.extract_strided_slice %dot_general3A_51 {offsets = [0, 0], sizes = [1, 1], strides = [1, 1]} : vector<1x16xf32> to vector<1x1xf32>
    %mul3A_69 = vector.broadcast %slice3A_68 : vector<1x1xf32> to vector<112x128xf32>
    %mul3A_70 = arith.mulf %mul3A_35, %mul3A_69 : vector<112x128xf32>
    %add3A_71 = arith.addf %mul3A_67, %mul3A_70 : vector<112x128xf32>
    %slice3A_72 = vector.extract_strided_slice %get3A_54 {offsets = [0, 0], sizes = [1, 1], strides = [1, 1]} : vector<1x16xf32> to vector<1x1xf32>
    %add3A_73 = vector.broadcast %slice3A_72 : vector<1x1xf32> to vector<112x128xf32>
    %add3A_74 = arith.addf %add3A_71, %add3A_73 : vector<112x128xf32>
    %max3A_75 = arith.constant 0.000000e+00 : f32
    %max3A_76 = vector.broadcast %max3A_75 : f32 to vector<112x128xf32>
    %max3A_77 = arith.maximumf %add3A_74, %max3A_76 : vector<112x128xf32>
    %slice3A_78 = vector.extract_strided_slice %convert_element_type3A_59 {offsets = [0, 0], sizes = [1, 1], strides = [1, 1]} : vector<1x16xf32> to vector<1x1xf32>
    %convert_element_type3A_79 = arith.truncf %max3A_77 : vector<112x128xf32> to vector<112x128xbf16>
    %convert_element_type3A_80 = arith.extf %convert_element_type3A_79 : vector<112x128xbf16> to vector<112x128xf32>
    %mul3A_81 = vector.broadcast %slice3A_78 : vector<1x1xf32> to vector<112x128xf32>
    %mul3A_82 = arith.mulf %mul3A_81, %convert_element_type3A_80 : vector<112x128xf32>
    %add3A_83 = arith.addf %add3A_65, %mul3A_82 : vector<112x128xf32>
    %slice3A_84 = vector.extract_strided_slice %dot_general3A_46 {offsets = [0, 1], sizes = [1, 1], strides = [1, 1]} : vector<1x16xf32> to vector<1x1xf32>
    %mul3A_85 = vector.broadcast %slice3A_84 : vector<1x1xf32> to vector<112x128xf32>
    %mul3A_86 = arith.mulf %mul3A_26, %mul3A_85 : vector<112x128xf32>
    %slice3A_87 = vector.extract_strided_slice %dot_general3A_51 {offsets = [0, 1], sizes = [1, 1], strides = [1, 1]} : vector<1x16xf32> to vector<1x1xf32>
    %mul3A_88 = vector.broadcast %slice3A_87 : vector<1x1xf32> to vector<112x128xf32>
    %mul3A_89 = arith.mulf %mul3A_35, %mul3A_88 : vector<112x128xf32>
    %add3A_90 = arith.addf %mul3A_86, %mul3A_89 : vector<112x128xf32>
    %slice3A_91 = vector.extract_strided_slice %get3A_54 {offsets = [0, 1], sizes = [1, 1], strides = [1, 1]} : vector<1x16xf32> to vector<1x1xf32>
    %add3A_92 = vector.broadcast %slice3A_91 : vector<1x1xf32> to vector<112x128xf32>
    %add3A_93 = arith.addf %add3A_90, %add3A_92 : vector<112x128xf32>
    %max3A_94 = arith.constant 0.000000e+00 : f32
    %max3A_95 = vector.broadcast %max3A_94 : f32 to vector<112x128xf32>
    %max3A_96 = arith.maximumf %add3A_93, %max3A_95 : vector<112x128xf32>
    %slice3A_97 = vector.extract_strided_slice %convert_element_type3A_59 {offsets = [0, 1], sizes = [1, 1], strides = [1, 1]} : vector<1x16xf32> to vector<1x1xf32>
    %convert_element_type3A_98 = arith.truncf %max3A_96 : vector<112x128xf32> to vector<112x128xbf16>
    %convert_element_type3A_99 = arith.extf %convert_element_type3A_98 : vector<112x128xbf16> to vector<112x128xf32>
    %mul3A_100 = vector.broadcast %slice3A_97 : vector<1x1xf32> to vector<112x128xf32>
    %mul3A_101 = arith.mulf %mul3A_100, %convert_element_type3A_99 : vector<112x128xf32>
    %add3A_102 = arith.addf %add3A_83, %mul3A_101 : vector<112x128xf32>
    %slice3A_103 = vector.extract_strided_slice %dot_general3A_46 {offsets = [0, 2], sizes = [1, 1], strides = [1, 1]} : vector<1x16xf32> to vector<1x1xf32>
    %mul3A_104 = vector.broadcast %slice3A_103 : vector<1x1xf32> to vector<112x128xf32>
    %mul3A_105 = arith.mulf %mul3A_26, %mul3A_104 : vector<112x128xf32>
    %slice3A_106 = vector.extract_strided_slice %dot_general3A_51 {offsets = [0, 2], sizes = [1, 1], strides = [1, 1]} : vector<1x16xf32> to vector<1x1xf32>
    %mul3A_107 = vector.broadcast %slice3A_106 : vector<1x1xf32> to vector<112x128xf32>
    %mul3A_108 = arith.mulf %mul3A_35, %mul3A_107 : vector<112x128xf32>
    %add3A_109 = arith.addf %mul3A_105, %mul3A_108 : vector<112x128xf32>
    %slice3A_110 = vector.extract_strided_slice %get3A_54 {offsets = [0, 2], sizes = [1, 1], strides = [1, 1]} : vector<1x16xf32> to vector<1x1xf32>
    %add3A_111 = vector.broadcast %slice3A_110 : vector<1x1xf32> to vector<112x128xf32>
    %add3A_112 = arith.addf %add3A_109, %add3A_111 : vector<112x128xf32>
    %max3A_113 = arith.constant 0.000000e+00 : f32
    %max3A_114 = vector.broadcast %max3A_113 : f32 to vector<112x128xf32>
    %max3A_115 = arith.maximumf %add3A_112, %max3A_114 : vector<112x128xf32>
    %slice3A_116 = vector.extract_strided_slice %convert_element_type3A_59 {offsets = [0, 2], sizes = [1, 1], strides = [1, 1]} : vector<1x16xf32> to vector<1x1xf32>
    %convert_element_type3A_117 = arith.truncf %max3A_115 : vector<112x128xf32> to vector<112x128xbf16>
    %convert_element_type3A_118 = arith.extf %convert_element_type3A_117 : vector<112x128xbf16> to vector<112x128xf32>
    %mul3A_119 = vector.broadcast %slice3A_116 : vector<1x1xf32> to vector<112x128xf32>
    %mul3A_120 = arith.mulf %mul3A_119, %convert_element_type3A_118 : vector<112x128xf32>
    %add3A_121 = arith.addf %add3A_102, %mul3A_120 : vector<112x128xf32>
    %slice3A_122 = vector.extract_strided_slice %dot_general3A_46 {offsets = [0, 3], sizes = [1, 1], strides = [1, 1]} : vector<1x16xf32> to vector<1x1xf32>
    %mul3A_123 = vector.broadcast %slice3A_122 : vector<1x1xf32> to vector<112x128xf32>
    %mul3A_124 = arith.mulf %mul3A_26, %mul3A_123 : vector<112x128xf32>
    %slice3A_125 = vector.extract_strided_slice %dot_general3A_51 {offsets = [0, 3], sizes = [1, 1], strides = [1, 1]} : vector<1x16xf32> to vector<1x1xf32>
    %mul3A_126 = vector.broadcast %slice3A_125 : vector<1x1xf32> to vector<112x128xf32>
    %mul3A_127 = arith.mulf %mul3A_35, %mul3A_126 : vector<112x128xf32>
    %add3A_128 = arith.addf %mul3A_124, %mul3A_127 : vector<112x128xf32>
    %slice3A_129 = vector.extract_strided_slice %get3A_54 {offsets = [0, 3], sizes = [1, 1], strides = [1, 1]} : vector<1x16xf32> to vector<1x1xf32>
    %add3A_130 = vector.broadcast %slice3A_129 : vector<1x1xf32> to vector<112x128xf32>
    %add3A_131 = arith.addf %add3A_128, %add3A_130 : vector<112x128xf32>
    %max3A_132 = arith.constant 0.000000e+00 : f32
    %max3A_133 = vector.broadcast %max3A_132 : f32 to vector<112x128xf32>
    %max3A_134 = arith.maximumf %add3A_131, %max3A_133 : vector<112x128xf32>
    %slice3A_135 = vector.extract_strided_slice %convert_element_type3A_59 {offsets = [0, 3], sizes = [1, 1], strides = [1, 1]} : vector<1x16xf32> to vector<1x1xf32>
    %convert_element_type3A_136 = arith.truncf %max3A_134 : vector<112x128xf32> to vector<112x128xbf16>
    %convert_element_type3A_137 = arith.extf %convert_element_type3A_136 : vector<112x128xbf16> to vector<112x128xf32>
    %mul3A_138 = vector.broadcast %slice3A_135 : vector<1x1xf32> to vector<112x128xf32>
    %mul3A_139 = arith.mulf %mul3A_138, %convert_element_type3A_137 : vector<112x128xf32>
    %add3A_140 = arith.addf %add3A_121, %mul3A_139 : vector<112x128xf32>
    %slice3A_141 = vector.extract_strided_slice %dot_general3A_46 {offsets = [0, 4], sizes = [1, 1], strides = [1, 1]} : vector<1x16xf32> to vector<1x1xf32>
    %mul3A_142 = vector.broadcast %slice3A_141 : vector<1x1xf32> to vector<112x128xf32>
    %mul3A_143 = arith.mulf %mul3A_26, %mul3A_142 : vector<112x128xf32>
    %slice3A_144 = vector.extract_strided_slice %dot_general3A_51 {offsets = [0, 4], sizes = [1, 1], strides = [1, 1]} : vector<1x16xf32> to vector<1x1xf32>
    %mul3A_145 = vector.broadcast %slice3A_144 : vector<1x1xf32> to vector<112x128xf32>
    %mul3A_146 = arith.mulf %mul3A_35, %mul3A_145 : vector<112x128xf32>
    %add3A_147 = arith.addf %mul3A_143, %mul3A_146 : vector<112x128xf32>
    %slice3A_148 = vector.extract_strided_slice %get3A_54 {offsets = [0, 4], sizes = [1, 1], strides = [1, 1]} : vector<1x16xf32> to vector<1x1xf32>
    %add3A_149 = vector.broadcast %slice3A_148 : vector<1x1xf32> to vector<112x128xf32>
    %add3A_150 = arith.addf %add3A_147, %add3A_149 : vector<112x128xf32>
    %max3A_151 = arith.constant 0.000000e+00 : f32
    %max3A_152 = vector.broadcast %max3A_151 : f32 to vector<112x128xf32>
    %max3A_153 = arith.maximumf %add3A_150, %max3A_152 : vector<112x128xf32>
    %slice3A_154 = vector.extract_strided_slice %convert_element_type3A_59 {offsets = [0, 4], sizes = [1, 1], strides = [1, 1]} : vector<1x16xf32> to vector<1x1xf32>
    %convert_element_type3A_155 = arith.truncf %max3A_153 : vector<112x128xf32> to vector<112x128xbf16>
    %convert_element_type3A_156 = arith.extf %convert_element_type3A_155 : vector<112x128xbf16> to vector<112x128xf32>
    %mul3A_157 = vector.broadcast %slice3A_154 : vector<1x1xf32> to vector<112x128xf32>
    %mul3A_158 = arith.mulf %mul3A_157, %convert_element_type3A_156 : vector<112x128xf32>
    %add3A_159 = arith.addf %add3A_140, %mul3A_158 : vector<112x128xf32>
    %slice3A_160 = vector.extract_strided_slice %dot_general3A_46 {offsets = [0, 5], sizes = [1, 1], strides = [1, 1]} : vector<1x16xf32> to vector<1x1xf32>
    %mul3A_161 = vector.broadcast %slice3A_160 : vector<1x1xf32> to vector<112x128xf32>
    %mul3A_162 = arith.mulf %mul3A_26, %mul3A_161 : vector<112x128xf32>
    %slice3A_163 = vector.extract_strided_slice %dot_general3A_51 {offsets = [0, 5], sizes = [1, 1], strides = [1, 1]} : vector<1x16xf32> to vector<1x1xf32>
    %mul3A_164 = vector.broadcast %slice3A_163 : vector<1x1xf32> to vector<112x128xf32>
    %mul3A_165 = arith.mulf %mul3A_35, %mul3A_164 : vector<112x128xf32>
    %add3A_166 = arith.addf %mul3A_162, %mul3A_165 : vector<112x128xf32>
    %slice3A_167 = vector.extract_strided_slice %get3A_54 {offsets = [0, 5], sizes = [1, 1], strides = [1, 1]} : vector<1x16xf32> to vector<1x1xf32>
    %add3A_168 = vector.broadcast %slice3A_167 : vector<1x1xf32> to vector<112x128xf32>
    %add3A_169 = arith.addf %add3A_166, %add3A_168 : vector<112x128xf32>
    %max3A_170 = arith.constant 0.000000e+00 : f32
    %max3A_171 = vector.broadcast %max3A_170 : f32 to vector<112x128xf32>
    %max3A_172 = arith.maximumf %add3A_169, %max3A_171 : vector<112x128xf32>
    %slice3A_173 = vector.extract_strided_slice %convert_element_type3A_59 {offsets = [0, 5], sizes = [1, 1], strides = [1, 1]} : vector<1x16xf32> to vector<1x1xf32>
    %convert_element_type3A_174 = arith.truncf %max3A_172 : vector<112x128xf32> to vector<112x128xbf16>
    %convert_element_type3A_175 = arith.extf %convert_element_type3A_174 : vector<112x128xbf16> to vector<112x128xf32>
    %mul3A_176 = vector.broadcast %slice3A_173 : vector<1x1xf32> to vector<112x128xf32>
    %mul3A_177 = arith.mulf %mul3A_176, %convert_element_type3A_175 : vector<112x128xf32>
    %add3A_178 = arith.addf %add3A_159, %mul3A_177 : vector<112x128xf32>
    %slice3A_179 = vector.extract_strided_slice %dot_general3A_46 {offsets = [0, 6], sizes = [1, 1], strides = [1, 1]} : vector<1x16xf32> to vector<1x1xf32>
    %mul3A_180 = vector.broadcast %slice3A_179 : vector<1x1xf32> to vector<112x128xf32>
    %mul3A_181 = arith.mulf %mul3A_26, %mul3A_180 : vector<112x128xf32>
    %slice3A_182 = vector.extract_strided_slice %dot_general3A_51 {offsets = [0, 6], sizes = [1, 1], strides = [1, 1]} : vector<1x16xf32> to vector<1x1xf32>
    %mul3A_183 = vector.broadcast %slice3A_182 : vector<1x1xf32> to vector<112x128xf32>
    %mul3A_184 = arith.mulf %mul3A_35, %mul3A_183 : vector<112x128xf32>
    %add3A_185 = arith.addf %mul3A_181, %mul3A_184 : vector<112x128xf32>
    %slice3A_186 = vector.extract_strided_slice %get3A_54 {offsets = [0, 6], sizes = [1, 1], strides = [1, 1]} : vector<1x16xf32> to vector<1x1xf32>
    %add3A_187 = vector.broadcast %slice3A_186 : vector<1x1xf32> to vector<112x128xf32>
    %add3A_188 = arith.addf %add3A_185, %add3A_187 : vector<112x128xf32>
    %max3A_189 = arith.constant 0.000000e+00 : f32
    %max3A_190 = vector.broadcast %max3A_189 : f32 to vector<112x128xf32>
    %max3A_191 = arith.maximumf %add3A_188, %max3A_190 : vector<112x128xf32>
    %slice3A_192 = vector.extract_strided_slice %convert_element_type3A_59 {offsets = [0, 6], sizes = [1, 1], strides = [1, 1]} : vector<1x16xf32> to vector<1x1xf32>
    %convert_element_type3A_193 = arith.truncf %max3A_191 : vector<112x128xf32> to vector<112x128xbf16>
    %convert_element_type3A_194 = arith.extf %convert_element_type3A_193 : vector<112x128xbf16> to vector<112x128xf32>
    %mul3A_195 = vector.broadcast %slice3A_192 : vector<1x1xf32> to vector<112x128xf32>
    %mul3A_196 = arith.mulf %mul3A_195, %convert_element_type3A_194 : vector<112x128xf32>
    %add3A_197 = arith.addf %add3A_178, %mul3A_196 : vector<112x128xf32>
    %slice3A_198 = vector.extract_strided_slice %dot_general3A_46 {offsets = [0, 7], sizes = [1, 1], strides = [1, 1]} : vector<1x16xf32> to vector<1x1xf32>
    %mul3A_199 = vector.broadcast %slice3A_198 : vector<1x1xf32> to vector<112x128xf32>
    %mul3A_200 = arith.mulf %mul3A_26, %mul3A_199 : vector<112x128xf32>
    %slice3A_201 = vector.extract_strided_slice %dot_general3A_51 {offsets = [0, 7], sizes = [1, 1], strides = [1, 1]} : vector<1x16xf32> to vector<1x1xf32>
    %mul3A_202 = vector.broadcast %slice3A_201 : vector<1x1xf32> to vector<112x128xf32>
    %mul3A_203 = arith.mulf %mul3A_35, %mul3A_202 : vector<112x128xf32>
    %add3A_204 = arith.addf %mul3A_200, %mul3A_203 : vector<112x128xf32>
    %slice3A_205 = vector.extract_strided_slice %get3A_54 {offsets = [0, 7], sizes = [1, 1], strides = [1, 1]} : vector<1x16xf32> to vector<1x1xf32>
    %add3A_206 = vector.broadcast %slice3A_205 : vector<1x1xf32> to vector<112x128xf32>
    %add3A_207 = arith.addf %add3A_204, %add3A_206 : vector<112x128xf32>
    %max3A_208 = arith.constant 0.000000e+00 : f32
    %max3A_209 = vector.broadcast %max3A_208 : f32 to vector<112x128xf32>
    %max3A_210 = arith.maximumf %add3A_207, %max3A_209 : vector<112x128xf32>
    %slice3A_211 = vector.extract_strided_slice %convert_element_type3A_59 {offsets = [0, 7], sizes = [1, 1], strides = [1, 1]} : vector<1x16xf32> to vector<1x1xf32>
    %convert_element_type3A_212 = arith.truncf %max3A_210 : vector<112x128xf32> to vector<112x128xbf16>
    %convert_element_type3A_213 = arith.extf %convert_element_type3A_212 : vector<112x128xbf16> to vector<112x128xf32>
    %mul3A_214 = vector.broadcast %slice3A_211 : vector<1x1xf32> to vector<112x128xf32>
    %mul3A_215 = arith.mulf %mul3A_214, %convert_element_type3A_213 : vector<112x128xf32>
    %add3A_216 = arith.addf %add3A_197, %mul3A_215 : vector<112x128xf32>
    %slice3A_217 = vector.extract_strided_slice %dot_general3A_46 {offsets = [0, 8], sizes = [1, 1], strides = [1, 1]} : vector<1x16xf32> to vector<1x1xf32>
    %mul3A_218 = vector.broadcast %slice3A_217 : vector<1x1xf32> to vector<112x128xf32>
    %mul3A_219 = arith.mulf %mul3A_26, %mul3A_218 : vector<112x128xf32>
    %slice3A_220 = vector.extract_strided_slice %dot_general3A_51 {offsets = [0, 8], sizes = [1, 1], strides = [1, 1]} : vector<1x16xf32> to vector<1x1xf32>
    %mul3A_221 = vector.broadcast %slice3A_220 : vector<1x1xf32> to vector<112x128xf32>
    %mul3A_222 = arith.mulf %mul3A_35, %mul3A_221 : vector<112x128xf32>
    %add3A_223 = arith.addf %mul3A_219, %mul3A_222 : vector<112x128xf32>
    %slice3A_224 = vector.extract_strided_slice %get3A_54 {offsets = [0, 8], sizes = [1, 1], strides = [1, 1]} : vector<1x16xf32> to vector<1x1xf32>
    %add3A_225 = vector.broadcast %slice3A_224 : vector<1x1xf32> to vector<112x128xf32>
    %add3A_226 = arith.addf %add3A_223, %add3A_225 : vector<112x128xf32>
    %max3A_227 = arith.constant 0.000000e+00 : f32
    %max3A_228 = vector.broadcast %max3A_227 : f32 to vector<112x128xf32>
    %max3A_229 = arith.maximumf %add3A_226, %max3A_228 : vector<112x128xf32>
    %slice3A_230 = vector.extract_strided_slice %convert_element_type3A_59 {offsets = [0, 8], sizes = [1, 1], strides = [1, 1]} : vector<1x16xf32> to vector<1x1xf32>
    %convert_element_type3A_231 = arith.truncf %max3A_229 : vector<112x128xf32> to vector<112x128xbf16>
    %convert_element_type3A_232 = arith.extf %convert_element_type3A_231 : vector<112x128xbf16> to vector<112x128xf32>
    %mul3A_233 = vector.broadcast %slice3A_230 : vector<1x1xf32> to vector<112x128xf32>
    %mul3A_234 = arith.mulf %mul3A_233, %convert_element_type3A_232 : vector<112x128xf32>
    %add3A_235 = arith.addf %add3A_216, %mul3A_234 : vector<112x128xf32>
    %slice3A_236 = vector.extract_strided_slice %dot_general3A_46 {offsets = [0, 9], sizes = [1, 1], strides = [1, 1]} : vector<1x16xf32> to vector<1x1xf32>
    %mul3A_237 = vector.broadcast %slice3A_236 : vector<1x1xf32> to vector<112x128xf32>
    %mul3A_238 = arith.mulf %mul3A_26, %mul3A_237 : vector<112x128xf32>
    %slice3A_239 = vector.extract_strided_slice %dot_general3A_51 {offsets = [0, 9], sizes = [1, 1], strides = [1, 1]} : vector<1x16xf32> to vector<1x1xf32>
    %mul3A_240 = vector.broadcast %slice3A_239 : vector<1x1xf32> to vector<112x128xf32>
    %mul3A_241 = arith.mulf %mul3A_35, %mul3A_240 : vector<112x128xf32>
    %add3A_242 = arith.addf %mul3A_238, %mul3A_241 : vector<112x128xf32>
    %slice3A_243 = vector.extract_strided_slice %get3A_54 {offsets = [0, 9], sizes = [1, 1], strides = [1, 1]} : vector<1x16xf32> to vector<1x1xf32>
    %add3A_244 = vector.broadcast %slice3A_243 : vector<1x1xf32> to vector<112x128xf32>
    %add3A_245 = arith.addf %add3A_242, %add3A_244 : vector<112x128xf32>
    %max3A_246 = arith.constant 0.000000e+00 : f32
    %max3A_247 = vector.broadcast %max3A_246 : f32 to vector<112x128xf32>
    %max3A_248 = arith.maximumf %add3A_245, %max3A_247 : vector<112x128xf32>
    %slice3A_249 = vector.extract_strided_slice %convert_element_type3A_59 {offsets = [0, 9], sizes = [1, 1], strides = [1, 1]} : vector<1x16xf32> to vector<1x1xf32>
    %convert_element_type3A_250 = arith.truncf %max3A_248 : vector<112x128xf32> to vector<112x128xbf16>
    %convert_element_type3A_251 = arith.extf %convert_element_type3A_250 : vector<112x128xbf16> to vector<112x128xf32>
    %mul3A_252 = vector.broadcast %slice3A_249 : vector<1x1xf32> to vector<112x128xf32>
    %mul3A_253 = arith.mulf %mul3A_252, %convert_element_type3A_251 : vector<112x128xf32>
    %add3A_254 = arith.addf %add3A_235, %mul3A_253 : vector<112x128xf32>
    %slice3A_255 = vector.extract_strided_slice %dot_general3A_46 {offsets = [0, 10], sizes = [1, 1], strides = [1, 1]} : vector<1x16xf32> to vector<1x1xf32>
    %mul3A_256 = vector.broadcast %slice3A_255 : vector<1x1xf32> to vector<112x128xf32>
    %mul3A_257 = arith.mulf %mul3A_26, %mul3A_256 : vector<112x128xf32>
    %slice3A_258 = vector.extract_strided_slice %dot_general3A_51 {offsets = [0, 10], sizes = [1, 1], strides = [1, 1]} : vector<1x16xf32> to vector<1x1xf32>
    %mul3A_259 = vector.broadcast %slice3A_258 : vector<1x1xf32> to vector<112x128xf32>
    %mul3A_260 = arith.mulf %mul3A_35, %mul3A_259 : vector<112x128xf32>
    %add3A_261 = arith.addf %mul3A_257, %mul3A_260 : vector<112x128xf32>
    %slice3A_262 = vector.extract_strided_slice %get3A_54 {offsets = [0, 10], sizes = [1, 1], strides = [1, 1]} : vector<1x16xf32> to vector<1x1xf32>
    %add3A_263 = vector.broadcast %slice3A_262 : vector<1x1xf32> to vector<112x128xf32>
    %add3A_264 = arith.addf %add3A_261, %add3A_263 : vector<112x128xf32>
    %max3A_265 = arith.constant 0.000000e+00 : f32
    %max3A_266 = vector.broadcast %max3A_265 : f32 to vector<112x128xf32>
    %max3A_267 = arith.maximumf %add3A_264, %max3A_266 : vector<112x128xf32>
    %slice3A_268 = vector.extract_strided_slice %convert_element_type3A_59 {offsets = [0, 10], sizes = [1, 1], strides = [1, 1]} : vector<1x16xf32> to vector<1x1xf32>
    %convert_element_type3A_269 = arith.truncf %max3A_267 : vector<112x128xf32> to vector<112x128xbf16>
    %convert_element_type3A_270 = arith.extf %convert_element_type3A_269 : vector<112x128xbf16> to vector<112x128xf32>
    %mul3A_271 = vector.broadcast %slice3A_268 : vector<1x1xf32> to vector<112x128xf32>
    %mul3A_272 = arith.mulf %mul3A_271, %convert_element_type3A_270 : vector<112x128xf32>
    %add3A_273 = arith.addf %add3A_254, %mul3A_272 : vector<112x128xf32>
    %slice3A_274 = vector.extract_strided_slice %dot_general3A_46 {offsets = [0, 11], sizes = [1, 1], strides = [1, 1]} : vector<1x16xf32> to vector<1x1xf32>
    %mul3A_275 = vector.broadcast %slice3A_274 : vector<1x1xf32> to vector<112x128xf32>
    %mul3A_276 = arith.mulf %mul3A_26, %mul3A_275 : vector<112x128xf32>
    %slice3A_277 = vector.extract_strided_slice %dot_general3A_51 {offsets = [0, 11], sizes = [1, 1], strides = [1, 1]} : vector<1x16xf32> to vector<1x1xf32>
    %mul3A_278 = vector.broadcast %slice3A_277 : vector<1x1xf32> to vector<112x128xf32>
    %mul3A_279 = arith.mulf %mul3A_35, %mul3A_278 : vector<112x128xf32>
    %add3A_280 = arith.addf %mul3A_276, %mul3A_279 : vector<112x128xf32>
    %slice3A_281 = vector.extract_strided_slice %get3A_54 {offsets = [0, 11], sizes = [1, 1], strides = [1, 1]} : vector<1x16xf32> to vector<1x1xf32>
    %add3A_282 = vector.broadcast %slice3A_281 : vector<1x1xf32> to vector<112x128xf32>
    %add3A_283 = arith.addf %add3A_280, %add3A_282 : vector<112x128xf32>
    %max3A_284 = arith.constant 0.000000e+00 : f32
    %max3A_285 = vector.broadcast %max3A_284 : f32 to vector<112x128xf32>
    %max3A_286 = arith.maximumf %add3A_283, %max3A_285 : vector<112x128xf32>
    %slice3A_287 = vector.extract_strided_slice %convert_element_type3A_59 {offsets = [0, 11], sizes = [1, 1], strides = [1, 1]} : vector<1x16xf32> to vector<1x1xf32>
    %convert_element_type3A_288 = arith.truncf %max3A_286 : vector<112x128xf32> to vector<112x128xbf16>
    %convert_element_type3A_289 = arith.extf %convert_element_type3A_288 : vector<112x128xbf16> to vector<112x128xf32>
    %mul3A_290 = vector.broadcast %slice3A_287 : vector<1x1xf32> to vector<112x128xf32>
    %mul3A_291 = arith.mulf %mul3A_290, %convert_element_type3A_289 : vector<112x128xf32>
    %add3A_292 = arith.addf %add3A_273, %mul3A_291 : vector<112x128xf32>
    %slice3A_293 = vector.extract_strided_slice %dot_general3A_46 {offsets = [0, 12], sizes = [1, 1], strides = [1, 1]} : vector<1x16xf32> to vector<1x1xf32>
    %mul3A_294 = vector.broadcast %slice3A_293 : vector<1x1xf32> to vector<112x128xf32>
    %mul3A_295 = arith.mulf %mul3A_26, %mul3A_294 : vector<112x128xf32>
    %slice3A_296 = vector.extract_strided_slice %dot_general3A_51 {offsets = [0, 12], sizes = [1, 1], strides = [1, 1]} : vector<1x16xf32> to vector<1x1xf32>
    %mul3A_297 = vector.broadcast %slice3A_296 : vector<1x1xf32> to vector<112x128xf32>
    %mul3A_298 = arith.mulf %mul3A_35, %mul3A_297 : vector<112x128xf32>
    %add3A_299 = arith.addf %mul3A_295, %mul3A_298 : vector<112x128xf32>
    %slice3A_300 = vector.extract_strided_slice %get3A_54 {offsets = [0, 12], sizes = [1, 1], strides = [1, 1]} : vector<1x16xf32> to vector<1x1xf32>
    %add3A_301 = vector.broadcast %slice3A_300 : vector<1x1xf32> to vector<112x128xf32>
    %add3A_302 = arith.addf %add3A_299, %add3A_301 : vector<112x128xf32>
    %max3A_303 = arith.constant 0.000000e+00 : f32
    %max3A_304 = vector.broadcast %max3A_303 : f32 to vector<112x128xf32>
    %max3A_305 = arith.maximumf %add3A_302, %max3A_304 : vector<112x128xf32>
    %slice3A_306 = vector.extract_strided_slice %convert_element_type3A_59 {offsets = [0, 12], sizes = [1, 1], strides = [1, 1]} : vector<1x16xf32> to vector<1x1xf32>
    %convert_element_type3A_307 = arith.truncf %max3A_305 : vector<112x128xf32> to vector<112x128xbf16>
    %convert_element_type3A_308 = arith.extf %convert_element_type3A_307 : vector<112x128xbf16> to vector<112x128xf32>
    %mul3A_309 = vector.broadcast %slice3A_306 : vector<1x1xf32> to vector<112x128xf32>
    %mul3A_310 = arith.mulf %mul3A_309, %convert_element_type3A_308 : vector<112x128xf32>
    %add3A_311 = arith.addf %add3A_292, %mul3A_310 : vector<112x128xf32>
    %slice3A_312 = vector.extract_strided_slice %dot_general3A_46 {offsets = [0, 13], sizes = [1, 1], strides = [1, 1]} : vector<1x16xf32> to vector<1x1xf32>
    %mul3A_313 = vector.broadcast %slice3A_312 : vector<1x1xf32> to vector<112x128xf32>
    %mul3A_314 = arith.mulf %mul3A_26, %mul3A_313 : vector<112x128xf32>
    %slice3A_315 = vector.extract_strided_slice %dot_general3A_51 {offsets = [0, 13], sizes = [1, 1], strides = [1, 1]} : vector<1x16xf32> to vector<1x1xf32>
    %mul3A_316 = vector.broadcast %slice3A_315 : vector<1x1xf32> to vector<112x128xf32>
    %mul3A_317 = arith.mulf %mul3A_35, %mul3A_316 : vector<112x128xf32>
    %add3A_318 = arith.addf %mul3A_314, %mul3A_317 : vector<112x128xf32>
    %slice3A_319 = vector.extract_strided_slice %get3A_54 {offsets = [0, 13], sizes = [1, 1], strides = [1, 1]} : vector<1x16xf32> to vector<1x1xf32>
    %add3A_320 = vector.broadcast %slice3A_319 : vector<1x1xf32> to vector<112x128xf32>
    %add3A_321 = arith.addf %add3A_318, %add3A_320 : vector<112x128xf32>
    %max3A_322 = arith.constant 0.000000e+00 : f32
    %max3A_323 = vector.broadcast %max3A_322 : f32 to vector<112x128xf32>
    %max3A_324 = arith.maximumf %add3A_321, %max3A_323 : vector<112x128xf32>
    %slice3A_325 = vector.extract_strided_slice %convert_element_type3A_59 {offsets = [0, 13], sizes = [1, 1], strides = [1, 1]} : vector<1x16xf32> to vector<1x1xf32>
    %convert_element_type3A_326 = arith.truncf %max3A_324 : vector<112x128xf32> to vector<112x128xbf16>
    %convert_element_type3A_327 = arith.extf %convert_element_type3A_326 : vector<112x128xbf16> to vector<112x128xf32>
    %mul3A_328 = vector.broadcast %slice3A_325 : vector<1x1xf32> to vector<112x128xf32>
    %mul3A_329 = arith.mulf %mul3A_328, %convert_element_type3A_327 : vector<112x128xf32>
    %add3A_330 = arith.addf %add3A_311, %mul3A_329 : vector<112x128xf32>
    %slice3A_331 = vector.extract_strided_slice %dot_general3A_46 {offsets = [0, 14], sizes = [1, 1], strides = [1, 1]} : vector<1x16xf32> to vector<1x1xf32>
    %mul3A_332 = vector.broadcast %slice3A_331 : vector<1x1xf32> to vector<112x128xf32>
    %mul3A_333 = arith.mulf %mul3A_26, %mul3A_332 : vector<112x128xf32>
    %slice3A_334 = vector.extract_strided_slice %dot_general3A_51 {offsets = [0, 14], sizes = [1, 1], strides = [1, 1]} : vector<1x16xf32> to vector<1x1xf32>
    %mul3A_335 = vector.broadcast %slice3A_334 : vector<1x1xf32> to vector<112x128xf32>
    %mul3A_336 = arith.mulf %mul3A_35, %mul3A_335 : vector<112x128xf32>
    %add3A_337 = arith.addf %mul3A_333, %mul3A_336 : vector<112x128xf32>
    %slice3A_338 = vector.extract_strided_slice %get3A_54 {offsets = [0, 14], sizes = [1, 1], strides = [1, 1]} : vector<1x16xf32> to vector<1x1xf32>
    %add3A_339 = vector.broadcast %slice3A_338 : vector<1x1xf32> to vector<112x128xf32>
    %add3A_340 = arith.addf %add3A_337, %add3A_339 : vector<112x128xf32>
    %max3A_341 = arith.constant 0.000000e+00 : f32
    %max3A_342 = vector.broadcast %max3A_341 : f32 to vector<112x128xf32>
    %max3A_343 = arith.maximumf %add3A_340, %max3A_342 : vector<112x128xf32>
    %slice3A_344 = vector.extract_strided_slice %convert_element_type3A_59 {offsets = [0, 14], sizes = [1, 1], strides = [1, 1]} : vector<1x16xf32> to vector<1x1xf32>
    %convert_element_type3A_345 = arith.truncf %max3A_343 : vector<112x128xf32> to vector<112x128xbf16>
    %convert_element_type3A_346 = arith.extf %convert_element_type3A_345 : vector<112x128xbf16> to vector<112x128xf32>
    %mul3A_347 = vector.broadcast %slice3A_344 : vector<1x1xf32> to vector<112x128xf32>
    %mul3A_348 = arith.mulf %mul3A_347, %convert_element_type3A_346 : vector<112x128xf32>
    %add3A_349 = arith.addf %add3A_330, %mul3A_348 : vector<112x128xf32>
    %slice3A_350 = vector.extract_strided_slice %dot_general3A_46 {offsets = [0, 15], sizes = [1, 1], strides = [1, 1]} : vector<1x16xf32> to vector<1x1xf32>
    %mul3A_351 = vector.broadcast %slice3A_350 : vector<1x1xf32> to vector<112x128xf32>
    %mul3A_352 = arith.mulf %mul3A_26, %mul3A_351 : vector<112x128xf32>
    %slice3A_353 = vector.extract_strided_slice %dot_general3A_51 {offsets = [0, 15], sizes = [1, 1], strides = [1, 1]} : vector<1x16xf32> to vector<1x1xf32>
    %mul3A_354 = vector.broadcast %slice3A_353 : vector<1x1xf32> to vector<112x128xf32>
    %mul3A_355 = arith.mulf %mul3A_35, %mul3A_354 : vector<112x128xf32>
    %add3A_356 = arith.addf %mul3A_352, %mul3A_355 : vector<112x128xf32>
    %slice3A_357 = vector.extract_strided_slice %get3A_54 {offsets = [0, 15], sizes = [1, 1], strides = [1, 1]} : vector<1x16xf32> to vector<1x1xf32>
    %add3A_358 = vector.broadcast %slice3A_357 : vector<1x1xf32> to vector<112x128xf32>
    %add3A_359 = arith.addf %add3A_356, %add3A_358 : vector<112x128xf32>
    %max3A_360 = arith.constant 0.000000e+00 : f32
    %max3A_361 = vector.broadcast %max3A_360 : f32 to vector<112x128xf32>
    %max3A_362 = arith.maximumf %add3A_359, %max3A_361 : vector<112x128xf32>
    %slice3A_363 = vector.extract_strided_slice %convert_element_type3A_59 {offsets = [0, 15], sizes = [1, 1], strides = [1, 1]} : vector<1x16xf32> to vector<1x1xf32>
    %convert_element_type3A_364 = arith.truncf %max3A_362 : vector<112x128xf32> to vector<112x128xbf16>
    %convert_element_type3A_365 = arith.extf %convert_element_type3A_364 : vector<112x128xbf16> to vector<112x128xf32>
    %mul3A_366 = vector.broadcast %slice3A_363 : vector<1x1xf32> to vector<112x128xf32>
    %mul3A_367 = arith.mulf %mul3A_366, %convert_element_type3A_365 : vector<112x128xf32>
    %add3A_368 = arith.addf %add3A_349, %mul3A_367 : vector<112x128xf32>
    %tanh3A = math.tanh %add3A_368 : vector<112x128xf32>
    %swap3A = arith.constant 0 : index
    %swap3A_369 = arith.constant 0 : index
    %swap3A_370 = vector.load %arg14[%swap3A, %swap3A_369] : memref<112x128xf32, #tpu.memory_space<vmem>>, vector<112x128xf32>
    tpu.vector_store %arg14[%swap3A, %swap3A_369], %tanh3A {strides = array<i32>} : memref<112x128xf32, #tpu.memory_space<vmem>>, vector<112x128xf32>,
    return
  }
  func.func @transform_0(%arg0: i32) -> (i32, i32) {
    %c0_i32 = arith.constant 0 : i32
    %c0_i32_0 = arith.constant 0 : i32
    return %arg0, %c0_i32 : i32, i32
  }
  func.func @transform_1(%arg0: i32) -> (i32, i32) {
    %c0_i32 = arith.constant 0 : i32
    %c0_i32_0 = arith.constant 0 : i32
    return %arg0, %c0_i32 : i32, i32
  }
  func.func @transform_2(%arg0: i32) -> (i32, i32) {
    %c0_i32 = arith.constant 0 : i32
    %c0_i32_0 = arith.constant 0 : i32
    return %arg0, %c0_i32 : i32, i32
  }
  func.func @transform_3(%arg0: i32) -> (i32, i32) {
    %c0_i32 = arith.constant 0 : i32
    %c0_i32_0 = arith.constant 0 : i32
    return %arg0, %c0_i32 : i32, i32
  }
  func.func @transform_4(%arg0: i32) -> (i32, i32) {
    %c0_i32 = arith.constant 0 : i32
    %c0_i32_0 = arith.constant 0 : i32
    return %arg0, %c0_i32 : i32, i32
  }
  func.func @transform_5(%arg0: i32) -> (i32, i32) {
    %c0_i32 = arith.constant 0 : i32
    %c0_i32_0 = arith.constant 0 : i32
    return %arg0, %c0_i32 : i32, i32
  }
  func.func @transform_6(%arg0: i32) -> (i32, i32) {
    %c0_i32 = arith.constant 0 : i32
    %c0_i32_0 = arith.constant 0 : i32
    return %arg0, %c0_i32 : i32, i32
  }
  func.func @transform_7(%arg0: i32) -> (i32, i32) {
    %c0_i32 = arith.constant 0 : i32
    %c0_i32_0 = arith.constant 0 : i32
    return %arg0, %c0_i32 : i32, i32
  }
  func.func @transform_8(%arg0: i32) -> (i32, i32) {
    %c0_i32 = arith.constant 0 : i32
    %c0_i32_0 = arith.constant 0 : i32
    %c0_i32_1 = arith.constant 0 : i32
    return %c0_i32, %c0_i32_0 : i32, i32
  }
  func.func @transform_9(%arg0: i32) -> (i32, i32) {
    %c0_i32 = arith.constant 0 : i32
    %c0_i32_0 = arith.constant 0 : i32
    %c0_i32_1 = arith.constant 0 : i32
    return %c0_i32, %c0_i32_0 : i32, i32
  }
  func.func @transform_10(%arg0: i32) -> (i32, i32) {
    %c0_i32 = arith.constant 0 : i32
    %c0_i32_0 = arith.constant 0 : i32
    %c0_i32_1 = arith.constant 0 : i32
    return %c0_i32, %c0_i32_0 : i32, i32
  }
  func.func @transform_11(%arg0: i32) -> (i32, i32) {
    %c0_i32 = arith.constant 0 : i32
    %c0_i32_0 = arith.constant 0 : i32
    %c0_i32_1 = arith.constant 0 : i32
    return %c0_i32, %c0_i32_0 : i32, i32
  }
  func.func @transform_12(%arg0: i32) -> (i32, i32) {
    %c0_i32 = arith.constant 0 : i32
    %c0_i32_0 = arith.constant 0 : i32
    %c0_i32_1 = arith.constant 0 : i32
    return %c0_i32, %c0_i32_0 : i32, i32
  }
  func.func @transform_13(%arg0: i32) -> (i32, i32) {
    %c0_i32 = arith.constant 0 : i32
    %c0_i32_0 = arith.constant 0 : i32
    return %arg0, %c0_i32 : i32, i32
  }
}

</mosaic_0001>

<sc_bundles>
// kernel: kernel.10.cloned.1.call-start
scs
__scs_entry_jumppad:
0x0: {  	(pc) =	sbr.rel $0x88, $3  }
0x1: {  	(tag) =	ssettag $0x0;
	lr =	simm.s32 $0x1  }
0x2: {  	[smem:$0x3F9A] =	sst lr;
	_ =	strace $0xD0000000  }
0x3: {  	_ = 	snop  }
0x4: {  	_ = 	snop  }
0x5: {  	_ = 	snop  }
0x6: {  	_ = 	snop  }
0x7: {  	_ = 	snop  }
__scs_overlays_trampoline_lowered:
0x8: {  	[smem:$0x3FA9] =	sst s0  }
0x9: {  	[smem:$0x3FAA] =	sst s1  }
0xa: {  	[smem:$0x3FAB] =	sst s2  }
0xb: {  	[smem:$0x3FAC] =	sst s3  }
0xc: {  	[smem:$0x3FAD] =	sst s4  }
0xd: {  	[smem:$0x3FAE] =	sst s5  }
0xe: {  	[smem:$0x3FAF] =	sst s6  }
0xf: {  	[smem:$0x3FB0] =	sst s7  }
0x10: {  	[smem:$0x3FB1] =	sst s8  }
0x11: {  	[smem:$0x3FB2] =	sst s9;
	s0 =	simm.s32 @!p0 $0x0  }
0x12: {  	s1 =	sld [smem:$0x3F98];
	s0 =	simm.s32 @p0 $0x1  }
0x13: {  	[smem:$0x3FB3] =	sst s0;
	s0 =	simm.s32 @!p1 $0x0  }
0x14: {  	s2 =	sld [smem:$0x3F97];
	s0 =	simm.s32 @p1 $0x1  }
0x15: {  	[smem:$0x3FB4] =	sst s0;
	s0 =	simm.s32 @!p2 $0x0  }
0x16: {  	s3 =	sld [smem:$0x3FDB];
	s0 =	simm.s32 @p2 $0x1  }
0x17: {  	s4 =	simm.s32 $0x1BF5;
	[smem:$0x3FB6] =	sst s0  }
0x18: {  	s0 =	sld [smem:$0x3F99];
	_ =	swait.ge [sflag:s4], $0x0  }
0x19: {  	s7 =	sld [smem:$0x3F9A]  }
0x1a: {  	s8 =	sadd.s32 $0xFFFFE003, lr  }
0x1b: {  	s9 =	sadd.s32 $0xFFFFFEF7, lr;
	s5 =	simm.s32 $0xFFFFFFFF;
	p2 =	slt.u32 s8, $0xFFFFF086  }
0x1c: {  	p1 =	slt.u32 s9, $0xF7A;
	s5 =	simm.s32 @!p2 $0x0  }
0x1d: {  	s5 =	simm.s32 @p1 $0x1;
	p0 =	seq.s32 s7, s2  }
0x1e: {  	s7 =	smul.u32 @!p0 $0xF7A, s2;
	p2 =	seq.s32 @!p0 s5, $0x0  }
0x1f: {  	s9 =	smul.u32 $0xF7A, s1;
	s8 =	simm.s32 @!p0 $0x1BF5;
	p2 =	por !p2, p0  }
0x20: {  	[sflag:s8] =	ssyncset.s32 @!p0 $0xFFFFF086;
	s6 =	sadd.s32 @!p0 s3, s7;
	s7 =	simm.s32 @!p0 $0x108  }
0x21: {  	s3 =	sadd.s32 s3, s9;
	s6 =	sadd.s32 @!p0 $0x88, s6;
	s7 =	simm.s32 @p2 $0x1082  }
0x22: {  	[simem:s7], [sflag:s8] =	dma.local @!p0 [hbm:s6], $0xF7A  }
0x23: {  	s9 =	sor.u32 $0xD0000000, s2;
	s6 =	simm.s32 $0x108;
	_ =	swait.ge @!p0 [sflag:s8], $0x0  }
0x24: {  	s3 =	sadd.s32 $0x88, s3;
	s6 =	simm.s32 @!p1 $0x1082;
	[sflag:s4] =	ssyncset.s32 $0xFFFFF086  }
0x25: {  	[simem:s6], [sflag:s4] =	dma.local [hbm:s3], $0xF7A  }
0x26: {  	[smem:$0x3F9A] =	sst s1;
	(tag) =	ssettag s2;
	_ =	strace s9  }
0x27: {  	s1 =	sld [smem:$0x3FAA]  }
0x28: {  	s2 =	sld [smem:$0x3FAB]  }
0x29: {  	s4 =	sld [smem:$0x3FAD]  }
0x2a: {  	p0 =	seq.s32 s5, $0x0;
	s5 =	sld [smem:$0x3FAE]  }
0x2b: {  	s6 =	sld [smem:$0x3FAF]  }
0x2c: {  	s7 =	sld [smem:$0x3FB0]  }
0x2d: {  	s3 =	simm.s32 $0x108;
	s8 =	sld [smem:$0x3FB1]  }
0x2e: {  	s3 =	simm.s32 @!p0 $0x1082;
	s9 =	sld [smem:$0x3FB2]  }
0x2f: {  	lr =	sadd.s32 s0, s3;
	s0 =	sld [smem:$0x3FA9]  }
0x30: {  	s3 =	sld [smem:$0x3FAC]  }
0x31: {  	[smem:$0x3FB5] =	sst s10  }
0x32: {  	s10 =	sld [smem:$0x3FB3];
	_ =	sdelay $0x3  }
0x33: {  	p0 =	seq.s32 s10, $0x1;
	s10 =	sld [smem:$0x3FB5];
	_ =	sdelay $0x3  }
0x34: {  	[smem:$0x3FB5] =	sst s10  }
0x35: {  	s10 =	sld [smem:$0x3FB4];
	_ =	sdelay $0x3  }
0x36: {  	p1 =	seq.s32 s10, $0x1;
	s10 =	sld [smem:$0x3FB5];
	_ =	sdelay $0x3  }
0x37: {  	[smem:$0x3FB5] =	sst s10  }
0x38: {  	s10 =	sld [smem:$0x3FB6]  }
0x39: {  	_ = 	snop;
	(pc) =	sbr.ind lr, $3  }
0x3a: {  	_ = 	snop  }
0x3b: {  	_ = 	snop  }
0x3c: {  	p2 =	seq.s32 s10, $0x1;
	s10 =	sld [smem:$0x3FB5]  }
0x3d: {  	_ =	shalt  }
0x3e: {  	_ =	shalt  }
0x3f: {  	_ =	shalt  }
0x40: {  	_ =	shalt  }
0x41: {  	_ =	shalt  }
0x42: {  	_ =	shalt  }
0x43: {  	_ =	shalt  }
0x44: {  	_ =	shalt  }
0x45: {  	_ =	shalt  }
0x46: {  	_ =	shalt  }
0x47: {  	_ =	shalt  }
0x48: {  	_ =	shalt  }
0x49: {  	_ =	shalt  }
0x4a: {  	_ =	shalt  }
0x4b: {  	_ =	shalt  }
0x4c: {  	_ =	shalt  }
0x4d: {  	_ =	shalt  }
0x4e: {  	_ =	shalt  }
0x4f: {  	_ =	shalt  }
0x50: {  	_ =	shalt  }
0x51: {  	_ =	shalt  }
0x52: {  	_ =	shalt  }
0x53: {  	_ =	shalt  }
0x54: {  	_ =	shalt  }
0x55: {  	_ =	shalt  }
0x56: {  	_ =	shalt  }
0x57: {  	_ =	shalt  }
0x58: {  	_ =	shalt  }
0x59: {  	_ =	shalt  }
0x5a: {  	_ =	shalt  }
0x5b: {  	_ =	shalt  }
0x5c: {  	_ =	shalt  }
0x5d: {  	_ =	shalt  }
0x5e: {  	_ =	shalt  }
0x5f: {  	_ =	shalt  }
0x60: {  	_ =	shalt  }
0x61: {  	_ =	shalt  }
0x62: {  	_ =	shalt  }
0x63: {  	_ =	shalt  }
0x64: {  	_ =	shalt  }
0x65: {  	_ =	shalt  }
0x66: {  	_ =	shalt  }
0x67: {  	_ =	shalt  }
0x68: {  	_ =	shalt  }
0x69: {  	_ =	shalt  }
0x6a: {  	_ =	shalt  }
0x6b: {  	_ =	shalt  }
0x6c: {  	_ =	shalt  }
0x6d: {  	_ =	shalt  }
0x6e: {  	_ =	shalt  }
0x6f: {  	_ =	shalt  }
0x70: {  	_ =	shalt  }
0x71: {  	_ =	shalt  }
0x72: {  	_ =	shalt  }
0x73: {  	_ =	shalt  }
0x74: {  	_ =	shalt  }
0x75: {  	_ =	shalt  }
0x76: {  	_ =	shalt  }
0x77: {  	_ =	shalt  }
0x78: {  	_ =	shalt  }
0x79: {  	_ =	shalt  }
0x7a: {  	_ =	shalt  }
0x7b: {  	_ =	shalt  }
0x7c: {  	_ =	shalt  }
0x7d: {  	_ =	shalt  }
0x7e: {  	_ =	shalt  }
0x7f: {  	_ =	shalt  }
0x80: {  	_ =	shalt  }
0x81: {  	_ =	shalt  }
0x82: {  	_ =	shalt  }
0x83: {  	_ =	shalt  }
0x84: {  	_ =	shalt  }
0x85: {  	_ =	shalt  }
0x86: {  	_ =	shalt  }
0x87: {  	_ =	shalt  }
.Lfunc_end0:
.L_simem_size_0:
called_computation.1_lowered:
.L_overlay_start_0:
0x88: {  	s2 =	sld [smem:$0x3FD9]  }
0x89: {  	s3 =	sld [smem:$0x3FFE];
	_ =	sdelay $0x1  }
0x8a: {  	s1 =	srdreg.scid  }
0x8b: {  	s0 =	sand.u32 $0x1, s1  }
0x8c: {  	s16 =	sshll.u32 s0, $0xA;
	s2 =	sadd.s32 s3, s2  }
0x8d: {  	s2 =	sadd.s32 s2, s16  }
0x8e: {  	[smem:$0x3FC1] =	sst s2  }
0x8f: {  	_ = 	snop  }
0x90: {  	(tm) =	ssettm $0x1  }
0x91: {  	s17 =	sld [smem:$0x3FFB];
	_ =	sdelay $0x3  }
0x92: {  	_ =	strace s17  }
0x93: {  	s2 =	sld [smem:$0x3FFC];
	_ =	sdelay $0x3  }
0x94: {  	_ =	strace s2  }
0x95: {  	s2 =	sld [smem:$0x3FFD];
	_ =	sdelay $0x3  }
0x96: {  	_ =	strace s2  }
0x97: {  	_ =	strace $0x8FFFFFFF  }
0x98: {  	s18 =	sld [smem:$0x3FDB];
	_ =	sdelay $0x1  }
0x99: {  	s19 =	simm.s32 $_scs_section_size  }
0x9a: {  	s4 =	simm.s32 $_size__tile_overlayer_lowered;
	s5 =	simm.s32 $_tile_overlayer_lowered  }
0x9b: {  	s22 =	simm.s32 $0x1BFF;
	s21 =	sshll.u32 s5, $0x1;
	s2 =	sadd.s32 s19, s18  }
0x9c: {  	s6 =	simm.s32 $0x0;
	s20 =	sshll.u32 s4, $0x1;
	s4 =	sadd.s32 s21, s2  }
0x9d: {  	[timem:s6], [sflag:s22] =	dma.local [hbm:s4], s20  }
0x9e: {  	_ =	swait.ge [sflag:s22], s20  }
0x9f: {  	s3 =	ssub.s32 $0x0, s20;
	[sflag:s22] =	ssyncset.done $0x0  }
0xa0: {  	[sflag:s22] =	ssyncadd.s32 s3;
	_ =	sdelay $0x1  }
0xa1: {  	s23 =	simm.s32 $0x1B8B  }
0xa2: {  	_ =	swait.ge [sflag:s23], $0x1  }
0xa3: {  	[sflag:s23] =	ssyncset.done $0x0  }
0xa4: {  	s25 =	simm.s32 $0x1B8E;
	s24 =	sld [smem:$0x3FFE];
	[sflag:s23] =	ssyncadd.s32 $0xFFFFFFFF  }
0xa5: {  	s26 =	simm.s32 $execute0_lowered;
	[smem:$0x3FD2] =	sst s25  }
0xa6: {  	s4 =	sshll.u32 s26, $0x1;
	_ =	strace $0x80000049;
	[dreg:$0x1] =	wrdreg $0xFFFFFFFF  }
0xa7: {  	s28 =	simm.s32 $_size_execute0_lowered;
	s2 =	sadd.s32 s2, s4;
	[dreg:$0x0] =	wrdreg $0x0  }
0xa8: {  	s4 =	sshll.u32 s28, $0x1;
	[dreg:$0x2] =	wrdreg s2  }
0xa9: {  	[dreg:$0x3] =	wrdreg s4  }
0xaa: {  	[dreg:$0x4] =	wrdreg $0xC0  }
0xab: {  	_ =	task [dreg:s6], $0x5FFFF  }
0xac: {  	[dreg:$0x1] =	wrdreg $0xFFFFFFFF  }
0xad: {  	[dreg:$0x0] =	wrdreg $0x60  }
0xae: {  	[dreg:$0x2] =	wrdreg s24  }
0xaf: {  	[dreg:$0x3] =	wrdreg $0xA7800  }
0xb0: {  	[dreg:$0x4] =	wrdreg $0xC0000  }
0xb1: {  	[dreg:$0x5] =	wrdreg $0x9  }
0xb2: {  	_ =	task.clear_ibuf [dreg:s6], $0x6FFFF;
	_ =	strace $0x90000049  }
0xb3: {  	s29 =	simm.s32 $0x9;
	_ =	strace $0x8000004B  }
0xb4: {  	_ =	swait.ge [sflag:s29], $0x1  }
0xb5: {  	[sflag:s29] =	ssyncadd.s32 $0xFFFFFFFF  }
0xb6: {  	_ =	strace $0x9000004B  }
0xb7: {  	_ =	sfence  }
0xb8: {  	s30 =	sld [smem:$0x0];
	_ =	sdelay $0x2  }
0xb9: {  	s31 =	sshll.u32 s1, $0xD;
	s1 =	sshrl.u32 s1, $0x2  }
0xba: {  	s3 =	sand.u32 $0x4000, s31;
	s1 =	sadd.s32 s1, s30  }
0xbb: {  	s0 =	sor.u32 s3, s0;
	s1 =	sshll.u32 s1, $0x11  }
0xbc: {  	s0 =	sor.u32 s1, s0  }
0xbd: {  	s0 =	sadd.s32 $0x8F2B, s0  }
0xbe: {  	[sflag:s0] =	ssyncadd.remote.s32 $0x1  }
0xbf: {  	_ =	sfence.sel $0xFFFF  }
0xc0: {  	[dreg:$0x0] =	wrdreg $0xFFFFFFFF;
	(pc) =	sbr.abs _section_cstart, $3  }
0xc1: {  	[dreg:$0x1] =	wrdreg $0xFFFFFFFF  }
0xc2: {  	_ =	task.clear_ibuf [dreg:s6], $0x2FFFF;
	_ =	strace $0x9FFFFFFF  }
0xc3: {  	(tm) =	ssettm $0x7FFFFFFF  }
tec
execute0_lowered:
.L_overlay_start_1:
0x0: {  	(tag) =	ssettag $0x1  }
0x1: {  	s5 =	rddreg [dreg:$0x0]  }
0x2: {  	s2 =	rddreg [dreg:$0x1];
	s0 =	stileid.u32  }
0x3: {  	s1 =	srdreg.scid;
	s3 =	rddreg [dreg:$0x2];
	s4 =	simm.s32 $0x0  }
0x4: {  	s12 =	simm.s32 $0x7680;
	s13 =	simm.s32 $0x1;
	s14 =	simm.s32 $0x8F00  }
0x5: {  	s15 =	simm.s32 $0x2780;
	s16 =	simm.s32 $0x2710;
	s17 =	simm.s32 $0x4F00  }
0x6: {  	s20 =	simm.s32 $0x20;
	s21 =	simm.s32 $0x10;
	s7 =	smul.u32 $0x1880, s0  }
0x7: {  	s6 =	sand.u32 $0x1, s1;
	s1 =	rddreg [dreg:$0x3];
	s9 =	smul.u32 $0x186A0, s0  }
0x8: {  	s22 =	simm.s32 $0x0;
	[smem:$0x7FF] =	sst s4;
	s11 =	smul.u32 $0x3100, s0  }
0x9: {  	s18 =	sshll.u32 s0, $0x6;
	s8 =	smul.u32 $0x186A00, s6;
	_ =	strace $0x8000004A  }
0xa: {  	s28 =	sshll.u32 s6, $0x7;
	s6 =	ssub.s32 $0x2, s6;
	s18 =	sor.u32 $0x1C01, s18  }
0xb: {  	s10 =	sshrl.u32 s7, $0x3;
	s31 =	sshrl.u32 s6, $0x1;
	s8 =	sadd.s32 s9, s8  }
0xc: {  	s10 =	sadd.s32 s10, s5;
	s9 =	sor.u32 s28, s11;
	s8 =	sshrl.u32 s8, $0x3  }
0xd: {  	s30 =	sshrl.u32 s9, $0x3;
	s9 =	ssub.s32 s6, s31;
	s6 =	sadd.s32 s7, s2  }
0xe: {  	s7 =	sadd.s32 s7, s3;
	s29 =	sadd.s32 s8, s5;
	s8 =	sadd.s32 s30, s5  }
0xf: {  	s5 =	sadd.s32 $0xC6200, s10;
	s9 =	smax.u32 s9, $0x1;
	s19 =	sshrl.u32 s7, $0x3  }
0x10: {  	v0 =	vimm.f32 $0.0e+00;
	s8 =	sadd.s32 $0xCC600, s8;
	s10 =	sadd.s32 $0x64600, s29;
	s11 =	sadd.s32 $0x2A00, s29  }
.LBB2_1:
0x11: {  	[tilespmem:s12], [sflag:$0x1] =	stream.linear.gather [hbm4b:s5+s4], $0x1880, $0x38;
	[tilespmem:$0xD880] =	vst v63  }
0x12: {  	_ =	swait.ge [sflag:s13], $0x1880  }
0x13: {  	[sflag:s13] =	ssyncset.done $0x0  }
0x14: {  	[sflag:s13] =	ssyncadd.s32 $0xFFFFE780  }
0x15: {  	[spmem:s6] =	stream.linear.scatter [tilespmem:s12], [sflag:$0x1], $0x1880, $0x38;
	[tilespmem:$0xD880] =	vst v63  }
0x16: {  	_ =	swait.ge [sflag:s13], $0x1880  }
0x17: {  	[sflag:s13] =	ssyncset.done $0x0  }
0x18: {  	s23 =	simm.s32 $0x40;
	s24 =	simm.s32 $0x0;
	[sflag:s13] =	ssyncadd.s32 $0xFFFFE780  }
.LBB2_2:
0x19: {  	p0 =	sne.s32 s23, $0x61C0;
	[tilespmem:s24+$0x8F00] =	vst v0;
	s24 =	smov.u32 s23;
	s23 =	sadd.s32 $0x40, s23  }
.Ltmp0:
0x1a: {  	(pc) =	sbr.rel @p0 .LBB2_2-.Ltmp0, $2  }
0x1b: {  	_ =	sdelay $0x2  }
0x1c: {  	s24 =	sshra.s32 s24, $0x2  }
0x1d: {  	[tilespmem:s24+$0x8F00] =	vst v0  }
0x1e: {  	[spmem:s7] =	stream.linear.scatter [tilespmem:s14], [sflag:$0x1], $0x1880, $0x38;
	[tilespmem:$0xD880] =	vst v63  }
0x1f: {  	_ =	swait.ge [sflag:s13], $0x1880  }
0x20: {  	[sflag:s13] =	ssyncset.done $0x0  }
0x21: {  	[sflag:s13] =	ssyncadd.s32 $0xFFFFE780  }
0x22: {  	s23 =	sadd.s32 $0x0, s11;
	[bflag:$0x0] =	sbarrier.arrive $0xFFFF  }
0x23: {  	[tilespmem:s4], [sflag:$0x1] =	stream.linear.gather [hbm4b:s23+s4], $0x2710, $0x38;
	[tilespmem:$0xD880] =	vst v63  }
0x24: {  	_ =	swait.ge [sflag:s13], $0x2710  }
0x25: {  	[sflag:s13] =	ssyncset.done $0x0  }
0x26: {  	s31 =	sadd.s32 $0x0, s10;
	[sflag:s13] =	ssyncadd.s32 $0xFFFFD8F0  }
0x27: {  	[tilespmem:s15], [sflag:$0x1] =	stream.linear.gather [hbm4b:s31+s4], $0x2710, $0x38;
	[tilespmem:$0xD880] =	vst v63  }
0x28: {  	_ =	swait.ge [sflag:s13], $0x2710  }
0x29: {  	[sflag:s13] =	ssyncset.done $0x0  }
0x2a: {  	[sflag:s13] =	ssyncadd.s32 $0xFFFFD8F0  }
0x2b: {  	[tilespmem:s17], [sflag:$0x1] =	stream.indirect.gather [spmem:s2], $0x1, s4, s16, $0xb8;
	[tilespmem:$0xD880] =	vst v63  }
0x2c: {  	_ =	swait.ge [sflag:s13], $0x2710  }
0x2d: {  	[sflag:s13] =	ssyncset.done $0x0  }
0x2e: {  	[sflag:s13] =	ssyncadd.s32 $0xFFFFD8F0  }
0x2f: {  	[spmem:s3] =	stream.indirect.scatter.add.f32 [tilespmem:s17], [sflag:$0x1], $0x1, s15, s16, $0xb8;
	[tilespmem:$0xD880] =	vst v63  }
0x30: {  	_ =	swait.ge [sflag:s13], $0x2710  }
0x31: {  	s24 =	simm.s32 $0x9C4;
	s23 =	simm.s32 $0x4E2;
	[sflag:s13] =	ssyncset.done $0x0  }
.LBB2_4:
0x32: {  	s25 =	sadd.s32 s23, s11  }
0x33: {  	[sflag:s13] =	ssyncadd.s32 $0xFFFFD8F0;
	s26 =	smov.u32 s24;
	s28 =	sadd.s32 $0x4E2, s24  }
0x34: {  	[tilespmem:s4], [sflag:$0x1] =	stream.linear.gather [hbm4b:s25+s4], $0x2710, $0x38;
	[tilespmem:$0xD880] =	vst v63  }
0x35: {  	p0 =	sne.s32 s24, $0x2BF2;
	_ =	swait.ge [sflag:s13], $0x2710  }
0x36: {  	[sflag:s13] =	ssyncset.done $0x0  }
0x37: {  	s24 =	sadd.s32 s23, s10;
	s23 =	smov.u32 s26;
	[sflag:s13] =	ssyncadd.s32 $0xFFFFD8F0  }
0x38: {  	[tilespmem:s15], [sflag:$0x1] =	stream.linear.gather [hbm4b:s24+s4], $0x2710, $0x38;
	[tilespmem:$0xD880] =	vst v63  }
0x39: {  	_ =	swait.ge [sflag:s13], $0x2710  }
0x3a: {  	[sflag:s13] =	ssyncset.done $0x0  }
0x3b: {  	[sflag:s13] =	ssyncadd.s32 $0xFFFFD8F0  }
0x3c: {  	[tilespmem:s17], [sflag:$0x1] =	stream.indirect.gather [spmem:s2], $0x1, s4, s16, $0xb8;
	[tilespmem:$0xD880] =	vst v63  }
0x3d: {  	_ =	swait.ge [sflag:s13], $0x2710  }
.Ltmp1:
0x3e: {  	[sflag:s13] =	ssyncset.done $0x0;
	(pc) =	sbr.rel @p0 .LBB2_4-.Ltmp1, $4  }
0x3f: {  	[sflag:s13] =	ssyncadd.s32 $0xFFFFD8F0  }
0x40: {  	[spmem:s3] =	stream.indirect.scatter.add.f32 [tilespmem:s17], [sflag:$0x1], $0x1, s15, s16, $0xb8;
	[tilespmem:$0xD880] =	vst v63  }
0x41: {  	_ =	swait.ge [sflag:s13], $0x2710  }
0x42: {  	s24 =	smov.u32 s28;
	[sflag:s13] =	ssyncset.done $0x0  }
0x43: {  	s24 =	sadd.s32 s23, s11;
	[sflag:s13] =	ssyncadd.s32 $0xFFFFD8F0  }
0x44: {  	[tilespmem:s4], [sflag:$0x1] =	stream.linear.gather [hbm4b:s24+s4], $0x2710, $0x38;
	[tilespmem:$0xD880] =	vst v63  }
0x45: {  	_ =	swait.ge [sflag:s13], $0x2710  }
0x46: {  	[sflag:s13] =	ssyncset.done $0x0  }
0x47: {  	s31 =	sadd.s32 s23, s10;
	[sflag:s13] =	ssyncadd.s32 $0xFFFFD8F0  }
0x48: {  	[tilespmem:s15], [sflag:$0x1] =	stream.linear.gather [hbm4b:s31+s4], $0x2710, $0x38;
	[tilespmem:$0xD880] =	vst v63  }
0x49: {  	_ =	swait.ge [sflag:s13], $0x2710  }
0x4a: {  	[sflag:s13] =	ssyncset.done $0x0  }
0x4b: {  	[sflag:s13] =	ssyncadd.s32 $0xFFFFD8F0  }
0x4c: {  	[tilespmem:s17], [sflag:$0x1] =	stream.indirect.gather [spmem:s2], $0x1, s4, s16, $0xb8;
	[tilespmem:$0xD880] =	vst v63  }
0x4d: {  	_ =	swait.ge [sflag:s13], $0x2710  }
0x4e: {  	[sflag:s13] =	ssyncset.done $0x0  }
0x4f: {  	[sflag:s13] =	ssyncadd.s32 $0xFFFFD8F0  }
0x50: {  	[spmem:s3] =	stream.indirect.scatter.add.f32 [tilespmem:s17], [sflag:$0x1], $0x1, s15, s16, $0xb8;
	[tilespmem:$0xD880] =	vst v63  }
0x51: {  	_ =	swait.ge [sflag:s13], $0x2710  }
0x52: {  	s22 =	sadd.s32 $0x1, s22;
	[sflag:s13] =	ssyncset.done $0x0  }
0x53: {  	p0 =	sne.s32 s22, s9;
	[sflag:s13] =	ssyncadd.s32 $0xFFFFD8F0  }
.Ltmp2:
0x54: {  	[bflag:$0x0] =	sbarrier.arrive $0xFFFF;
	(pc) =	sbr.rel @p0 .LBB2_1-.Ltmp2, $4  }
0x55: {  	[hbm:s8@s20], [sflag:s18] =	dma.strided [spmem:s19@s21], $0x310, s13, $0x10   }
0x56: {  	_ =	swait.ge [sflag:s13], $0x310  }
0x57: {  	[sflag:s13] =	ssyncset.done $0x0  }
0x58: {  	[sflag:s13] =	ssyncadd.s32 $0xFFFFFCF0  }
0x59: {  	_ =	sfence.sel $0x180000  }
0x5a: {  	[bflag:$0x0] =	sbarrier.arrive $0xFFFF  }
0x5b: {  	p0 =	sne.s32 s0, $0x0;
	_ =	strace $0x9000004A  }
0x5c: {  	s0 =	sadd.s32 @!p0 $0x100000, s1;
	[bflag:$0x2] =	sbarrier.arrive $0xFFFF  }
0x5d: {  	[sflag:s0] =	ssyncadd.tile.s32 @!p0 $0x1;
	_ =	shalt  }
.Lfunc_end2:
_tile_overlayer_lowered:
.L_overlay_start_2:
0x5e: {  	(tag) =	ssettag $0x2  }
0x5f: {  	s0 =	rddreg [dreg:$0x0];
	s2 =	stileid.u32  }
0x60: {  	s1 =	rddreg [dreg:$0x1];
	p0 =	sne.s32 s2, $0x0  }
0x61: {  	s3 =	rddreg [dreg:$0x2];
	[bflag:$0x3] =	sbarrier.arrive $0xFFFF;
	s2 =	simm.s32 @!p0 $0x1C01  }
0x62: {  	[timem:s3], [sflag:s2] =	dma.local @!p0 [hbm:s0], s1  }
0x63: {  	s0 =	simm.s32 @!p0 $0x1  }
0x64: {  	_ =	swait.ge @!p0 [sflag:s0], s1  }
0x65: {  	s1 =	ssub.s32 @!p0 $0x0, s1;
	[sflag:s0] =	ssyncset.done @!p0 $0x0  }
0x66: {  	[sflag:s0] =	ssyncadd.s32 @!p0 s1  }
0x67: {  	[bflag:$0x3] =	sbarrier.arrive $0xFFFF  }
0x68: {  	_ =	shalt  }

// kernel: kernel.13.cloned.1.call-start
scs
__scs_entry_jumppad:
0x0: {  	(pc) =	sbr.rel $0x88, $3  }
0x1: {  	(tag) =	ssettag $0x0;
	lr =	simm.s32 $0x1  }
0x2: {  	[smem:$0x3F9A] =	sst lr;
	_ =	strace $0xD0000000  }
0x3: {  	_ = 	snop  }
0x4: {  	_ = 	snop  }
0x5: {  	_ = 	snop  }
0x6: {  	_ = 	snop  }
0x7: {  	_ = 	snop  }
__scs_overlays_trampoline_lowered:
0x8: {  	[smem:$0x3FA9] =	sst s0  }
0x9: {  	[smem:$0x3FAA] =	sst s1  }
0xa: {  	[smem:$0x3FAB] =	sst s2  }
0xb: {  	[smem:$0x3FAC] =	sst s3  }
0xc: {  	[smem:$0x3FAD] =	sst s4  }
0xd: {  	[smem:$0x3FAE] =	sst s5  }
0xe: {  	[smem:$0x3FAF] =	sst s6  }
0xf: {  	[smem:$0x3FB0] =	sst s7  }
0x10: {  	[smem:$0x3FB1] =	sst s8  }
0x11: {  	[smem:$0x3FB2] =	sst s9;
	s0 =	simm.s32 @!p0 $0x0  }
0x12: {  	s1 =	sld [smem:$0x3F98];
	s0 =	simm.s32 @p0 $0x1  }
0x13: {  	[smem:$0x3FB3] =	sst s0;
	s0 =	simm.s32 @!p1 $0x0  }
0x14: {  	s2 =	sld [smem:$0x3F97];
	s0 =	simm.s32 @p1 $0x1  }
0x15: {  	[smem:$0x3FB4] =	sst s0;
	s0 =	simm.s32 @!p2 $0x0  }
0x16: {  	s3 =	sld [smem:$0x3FDB];
	s0 =	simm.s32 @p2 $0x1  }
0x17: {  	s4 =	simm.s32 $0x1BF5;
	[smem:$0x3FB6] =	sst s0  }
0x18: {  	s0 =	sld [smem:$0x3F99];
	_ =	swait.ge [sflag:s4], $0x0  }
0x19: {  	s7 =	sld [smem:$0x3F9A]  }
0x1a: {  	s8 =	sadd.s32 $0xFFFFE003, lr  }
0x1b: {  	s9 =	sadd.s32 $0xFFFFFEF7, lr;
	s5 =	simm.s32 $0xFFFFFFFF;
	p2 =	slt.u32 s8, $0xFFFFF086  }
0x1c: {  	p1 =	slt.u32 s9, $0xF7A;
	s5 =	simm.s32 @!p2 $0x0  }
0x1d: {  	s5 =	simm.s32 @p1 $0x1;
	p0 =	seq.s32 s7, s2  }
0x1e: {  	s7 =	smul.u32 @!p0 $0xF7A, s2;
	p2 =	seq.s32 @!p0 s5, $0x0  }
0x1f: {  	s9 =	smul.u32 $0xF7A, s1;
	s8 =	simm.s32 @!p0 $0x1BF5;
	p2 =	por !p2, p0  }
0x20: {  	[sflag:s8] =	ssyncset.s32 @!p0 $0xFFFFF086;
	s6 =	sadd.s32 @!p0 s3, s7;
	s7 =	simm.s32 @!p0 $0x108  }
0x21: {  	s3 =	sadd.s32 s3, s9;
	s6 =	sadd.s32 @!p0 $0x88, s6;
	s7 =	simm.s32 @p2 $0x1082  }
0x22: {  	[simem:s7], [sflag:s8] =	dma.local @!p0 [hbm:s6], $0xF7A  }
0x23: {  	s9 =	sor.u32 $0xD0000000, s2;
	s6 =	simm.s32 $0x108;
	_ =	swait.ge @!p0 [sflag:s8], $0x0  }
0x24: {  	s3 =	sadd.s32 $0x88, s3;
	s6 =	simm.s32 @!p1 $0x1082;
	[sflag:s4] =	ssyncset.s32 $0xFFFFF086  }
0x25: {  	[simem:s6], [sflag:s4] =	dma.local [hbm:s3], $0xF7A  }
0x26: {  	[smem:$0x3F9A] =	sst s1;
	(tag) =	ssettag s2;
	_ =	strace s9  }
0x27: {  	s1 =	sld [smem:$0x3FAA]  }
0x28: {  	s2 =	sld [smem:$0x3FAB]  }
0x29: {  	s4 =	sld [smem:$0x3FAD]  }
0x2a: {  	p0 =	seq.s32 s5, $0x0;
	s5 =	sld [smem:$0x3FAE]  }
0x2b: {  	s6 =	sld [smem:$0x3FAF]  }
0x2c: {  	s7 =	sld [smem:$0x3FB0]  }
0x2d: {  	s3 =	simm.s32 $0x108;
	s8 =	sld [smem:$0x3FB1]  }
0x2e: {  	s3 =	simm.s32 @!p0 $0x1082;
	s9 =	sld [smem:$0x3FB2]  }
0x2f: {  	lr =	sadd.s32 s0, s3;
	s0 =	sld [smem:$0x3FA9]  }
0x30: {  	s3 =	sld [smem:$0x3FAC]  }
0x31: {  	[smem:$0x3FB5] =	sst s10  }
0x32: {  	s10 =	sld [smem:$0x3FB3];
	_ =	sdelay $0x3  }
0x33: {  	p0 =	seq.s32 s10, $0x1;
	s10 =	sld [smem:$0x3FB5];
	_ =	sdelay $0x3  }
0x34: {  	[smem:$0x3FB5] =	sst s10  }
0x35: {  	s10 =	sld [smem:$0x3FB4];
	_ =	sdelay $0x3  }
0x36: {  	p1 =	seq.s32 s10, $0x1;
	s10 =	sld [smem:$0x3FB5];
	_ =	sdelay $0x3  }
0x37: {  	[smem:$0x3FB5] =	sst s10  }
0x38: {  	s10 =	sld [smem:$0x3FB6]  }
0x39: {  	_ = 	snop;
	(pc) =	sbr.ind lr, $3  }
0x3a: {  	_ = 	snop  }
0x3b: {  	_ = 	snop  }
0x3c: {  	p2 =	seq.s32 s10, $0x1;
	s10 =	sld [smem:$0x3FB5]  }
0x3d: {  	_ =	shalt  }
0x3e: {  	_ =	shalt  }
0x3f: {  	_ =	shalt  }
0x40: {  	_ =	shalt  }
0x41: {  	_ =	shalt  }
0x42: {  	_ =	shalt  }
0x43: {  	_ =	shalt  }
0x44: {  	_ =	shalt  }
0x45: {  	_ =	shalt  }
0x46: {  	_ =	shalt  }
0x47: {  	_ =	shalt  }
0x48: {  	_ =	shalt  }
0x49: {  	_ =	shalt  }
0x4a: {  	_ =	shalt  }
0x4b: {  	_ =	shalt  }
0x4c: {  	_ =	shalt  }
0x4d: {  	_ =	shalt  }
0x4e: {  	_ =	shalt  }
0x4f: {  	_ =	shalt  }
0x50: {  	_ =	shalt  }
0x51: {  	_ =	shalt  }
0x52: {  	_ =	shalt  }
0x53: {  	_ =	shalt  }
0x54: {  	_ =	shalt  }
0x55: {  	_ =	shalt  }
0x56: {  	_ =	shalt  }
0x57: {  	_ =	shalt  }
0x58: {  	_ =	shalt  }
0x59: {  	_ =	shalt  }
0x5a: {  	_ =	shalt  }
0x5b: {  	_ =	shalt  }
0x5c: {  	_ =	shalt  }
0x5d: {  	_ =	shalt  }
0x5e: {  	_ =	shalt  }
0x5f: {  	_ =	shalt  }
0x60: {  	_ =	shalt  }
0x61: {  	_ =	shalt  }
0x62: {  	_ =	shalt  }
0x63: {  	_ =	shalt  }
0x64: {  	_ =	shalt  }
0x65: {  	_ =	shalt  }
0x66: {  	_ =	shalt  }
0x67: {  	_ =	shalt  }
0x68: {  	_ =	shalt  }
0x69: {  	_ =	shalt  }
0x6a: {  	_ =	shalt  }
0x6b: {  	_ =	shalt  }
0x6c: {  	_ =	shalt  }
0x6d: {  	_ =	shalt  }
0x6e: {  	_ =	shalt  }
0x6f: {  	_ =	shalt  }
0x70: {  	_ =	shalt  }
0x71: {  	_ =	shalt  }
0x72: {  	_ =	shalt  }
0x73: {  	_ =	shalt  }
0x74: {  	_ =	shalt  }
0x75: {  	_ =	shalt  }
0x76: {  	_ =	shalt  }
0x77: {  	_ =	shalt  }
0x78: {  	_ =	shalt  }
0x79: {  	_ =	shalt  }
0x7a: {  	_ =	shalt  }
0x7b: {  	_ =	shalt  }
0x7c: {  	_ =	shalt  }
0x7d: {  	_ =	shalt  }
0x7e: {  	_ =	shalt  }
0x7f: {  	_ =	shalt  }
0x80: {  	_ =	shalt  }
0x81: {  	_ =	shalt  }
0x82: {  	_ =	shalt  }
0x83: {  	_ =	shalt  }
0x84: {  	_ =	shalt  }
0x85: {  	_ =	shalt  }
0x86: {  	_ =	shalt  }
0x87: {  	_ =	shalt  }
.Lfunc_end0:
.L_simem_size_0:
called_computation.2_lowered:
.L_overlay_start_0:
0x88: {  	s2 =	sld [smem:$0x3FD9]  }
0x89: {  	s3 =	sld [smem:$0x3FFE];
	_ =	sdelay $0x1  }
0x8a: {  	s1 =	srdreg.scid  }
0x8b: {  	s0 =	sand.u32 $0x1, s1  }
0x8c: {  	s16 =	sshll.u32 s0, $0xA;
	s2 =	sadd.s32 s3, s2  }
0x8d: {  	s2 =	sadd.s32 s2, s16  }
0x8e: {  	[smem:$0x3FC1] =	sst s2  }
0x8f: {  	_ = 	snop  }
0x90: {  	(tm) =	ssettm $0x1  }
0x91: {  	s17 =	sld [smem:$0x3FFB];
	_ =	sdelay $0x3  }
0x92: {  	_ =	strace s17  }
0x93: {  	s2 =	sld [smem:$0x3FFC];
	_ =	sdelay $0x3  }
0x94: {  	_ =	strace s2  }
0x95: {  	s2 =	sld [smem:$0x3FFD];
	_ =	sdelay $0x3  }
0x96: {  	_ =	strace s2  }
0x97: {  	_ =	strace $0x8FFFFFFF  }
0x98: {  	s18 =	sld [smem:$0x3FDB];
	_ =	sdelay $0x1  }
0x99: {  	s19 =	simm.s32 $_scs_section_size  }
0x9a: {  	s4 =	simm.s32 $_size__tile_overlayer_lowered;
	s5 =	simm.s32 $_tile_overlayer_lowered  }
0x9b: {  	s22 =	simm.s32 $0x1BFF;
	s21 =	sshll.u32 s5, $0x1;
	s2 =	sadd.s32 s19, s18  }
0x9c: {  	s6 =	simm.s32 $0x0;
	s20 =	sshll.u32 s4, $0x1;
	s4 =	sadd.s32 s21, s2  }
0x9d: {  	[timem:s6], [sflag:s22] =	dma.local [hbm:s4], s20  }
0x9e: {  	_ =	swait.ge [sflag:s22], s20  }
0x9f: {  	s3 =	ssub.s32 $0x0, s20;
	[sflag:s22] =	ssyncset.done $0x0  }
0xa0: {  	[sflag:s22] =	ssyncadd.s32 s3;
	_ =	sdelay $0x1  }
0xa1: {  	s23 =	simm.s32 $0x1B8B  }
0xa2: {  	_ =	swait.ge [sflag:s23], $0x1  }
0xa3: {  	[sflag:s23] =	ssyncset.done $0x0  }
0xa4: {  	s25 =	simm.s32 $0x1B8E;
	s24 =	sld [smem:$0x3FFE];
	[sflag:s23] =	ssyncadd.s32 $0xFFFFFFFF  }
0xa5: {  	s26 =	simm.s32 $execute0_lowered;
	[smem:$0x3FD2] =	sst s25  }
0xa6: {  	s4 =	sshll.u32 s26, $0x1;
	_ =	strace $0x8000004C;
	[dreg:$0x1] =	wrdreg $0xFFFFFFFF  }
0xa7: {  	s28 =	simm.s32 $_size_execute0_lowered;
	s2 =	sadd.s32 s2, s4;
	[dreg:$0x0] =	wrdreg $0x0  }
0xa8: {  	s4 =	sshll.u32 s28, $0x1;
	[dreg:$0x2] =	wrdreg s2  }
0xa9: {  	[dreg:$0x3] =	wrdreg s4  }
0xaa: {  	[dreg:$0x4] =	wrdreg $0xC0  }
0xab: {  	_ =	task [dreg:s6], $0x5FFFF  }
0xac: {  	[dreg:$0x1] =	wrdreg $0xFFFFFFFF  }
0xad: {  	[dreg:$0x0] =	wrdreg $0x60  }
0xae: {  	[dreg:$0x2] =	wrdreg s24  }
0xaf: {  	[dreg:$0x3] =	wrdreg $0x149800  }
0xb0: {  	[dreg:$0x4] =	wrdreg $0x162000  }
0xb1: {  	[dreg:$0x5] =	wrdreg $0x17A800  }
0xb2: {  	[dreg:$0x6] =	wrdreg $0x193000  }
0xb3: {  	[dreg:$0x7] =	wrdreg $0x9  }
0xb4: {  	_ =	task.clear_ibuf [dreg:s6], $0x8FFFF;
	_ =	strace $0x9000004C  }
0xb5: {  	s29 =	simm.s32 $0x9;
	_ =	strace $0x8000004E  }
0xb6: {  	_ =	swait.ge [sflag:s29], $0x1  }
0xb7: {  	[sflag:s29] =	ssyncadd.s32 $0xFFFFFFFF  }
0xb8: {  	_ =	strace $0x9000004E  }
0xb9: {  	_ =	sfence  }
0xba: {  	s30 =	sld [smem:$0x0];
	_ =	sdelay $0x2  }
0xbb: {  	s31 =	sshll.u32 s1, $0xD;
	s1 =	sshrl.u32 s1, $0x2  }
0xbc: {  	s3 =	sand.u32 $0x4000, s31;
	s1 =	sadd.s32 s1, s30  }
0xbd: {  	s0 =	sor.u32 s3, s0;
	s1 =	sshll.u32 s1, $0x11  }
0xbe: {  	s0 =	sor.u32 s1, s0  }
0xbf: {  	s0 =	sadd.s32 $0x8F2B, s0  }
0xc0: {  	[sflag:s0] =	ssyncadd.remote.s32 $0x1  }
0xc1: {  	_ =	sfence.sel $0xFFFF  }
0xc2: {  	[dreg:$0x0] =	wrdreg $0xFFFFFFFF;
	(pc) =	sbr.abs _section_cstart, $3  }
0xc3: {  	[dreg:$0x1] =	wrdreg $0xFFFFFFFF  }
0xc4: {  	_ =	task.clear_ibuf [dreg:s6], $0x2FFFF;
	_ =	strace $0x9FFFFFFF  }
0xc5: {  	(tm) =	ssettm $0x7FFFFFFF  }
tec
execute0_lowered:
.L_overlay_start_1:
0x0: {  	(tag) =	ssettag $0x1  }
0x1: {  	s0 =	rddreg [dreg:$0x0]  }
0x2: {  	s1 =	rddreg [dreg:$0x1]  }
0x3: {  	s3 =	rddreg [dreg:$0x2]  }
0x4: {  	s4 =	rddreg [dreg:$0x3]  }
0x5: {  	s5 =	rddreg [dreg:$0x4]  }
0x6: {  	s12 =	stileid.u32;
	s6 =	simm.s32 $0x0;
	s7 =	srdreg.scid  }
0x7: {  	s21 =	simm.s32 $0x1;
	s23 =	simm.s32 $0x80;
	s24 =	simm.s32 $0x100  }
0x8: {  	s30 =	simm.s32 $0x13100;
	s31 =	simm.s32 $0x2780;
	s2 =	smul.u32 $0x1880, s12  }
0x9: {  	s20 =	simm.s32 $0x7680;
	s22 =	simm.s32 $0x20;
	s8 =	smul.u32 $0x3100, s12  }
0xa: {  	[smem:$0x7FF] =	sst s6;
	s7 =	sand.u32 $0x1, s7;
	s12 =	smul.u32 $0x186A0, s12  }
0xb: {  	_ =	strace $0x8000004D;
	s9 =	smul.u32 $0x186A00, s7;
	s13 =	sshll.u32 s7, $0x7  }
0xc: {  	s7 =	ssub.s32 $0x2, s7;
	s10 =	sshrl.u32 s2, $0x3;
	s11 =	sshrl.u32 s8, $0x3  }
0xd: {  	s8 =	sor.u32 s13, s8;
	s25 =	sshrl.u32 s7, $0x1;
	s13 =	sadd.s32 s2, s4  }
0xe: {  	s14 =	sadd.s32 s2, s5;
	s10 =	sadd.s32 s10, s0;
	s11 =	sadd.s32 s11, s0  }
0xf: {  	s9 =	sadd.s32 s12, s9;
	s8 =	sshrl.u32 s8, $0x3;
	s7 =	ssub.s32 s7, s25  }
0x10: {  	s12 =	sadd.s32 s2, s3;
	s25 =	simm.s32 $0x10;
	s9 =	sshrl.u32 s9, $0x3  }
0x11: {  	s26 =	sadd.s32 $0xC6200, s10;
	s28 =	sadd.s32 $0xC9400, s10;
	s29 =	sadd.s32 $0xCC600, s11  }
0x12: {  	s10 =	sadd.s32 $0xCC610, s11;
	s11 =	sadd.s32 s2, s1;
	[dreg:$0x6] =	wrdreg s26  }
0x13: {  	s17 =	smax.u32 s7, $0x1;
	s2 =	simm.s32 $0x4F00;
	[dreg:$0x7] =	wrdreg s28  }
0x14: {  	s19 =	sadd.s32 s9, s0;
	s0 =	sadd.s32 s8, s0;
	[dreg:$0x8] =	wrdreg s29  }
0x15: {  	s26 =	simm.s32 $0x0;
	s15 =	sadd.s32 $0xD2800, s0;
	s16 =	sadd.s32 $0xD8A00, s0  }
0x16: {  	v0 =	vimm.f32 $0.0e+00;
	s18 =	sadd.s32 $0x64600, s19;
	s19 =	sadd.s32 $0x2A00, s19;
	s0 =	simm.s32 $0x2710  }
.LBB2_1:
0x17: {  	s7 =	rddreg [dreg:$0x6];
	s8 =	simm.s32 $0x9E00  }
0x18: {  	[tilespmem:s8], [sflag:$0x1] =	stream.linear.gather [hbm4b:s7+s6], $0x1880, $0x38;
	[tilespmem:$0x1AB80] =	vst v63  }
0x19: {  	_ =	swait.ge [sflag:s21], $0x1880  }
0x1a: {  	[sflag:s21] =	ssyncset.done $0x0  }
0x1b: {  	s9 =	simm.s32 $0xB680;
	s8 =	rddreg [dreg:$0x7];
	[sflag:s21] =	ssyncadd.s32 $0xFFFFE780  }
0x1c: {  	[tilespmem:s9], [sflag:$0x1] =	stream.linear.gather [hbm4b:s8+s6], $0x1880, $0x38;
	[tilespmem:$0x1AB80] =	vst v63  }
0x1d: {  	_ =	swait.ge [sflag:s21], $0x1880  }
0x1e: {  	[sflag:s21] =	ssyncset.done $0x0  }
0x1f: {  	s9 =	simm.s32 $0xCF00;
	s8 =	rddreg [dreg:$0x8];
	[sflag:s21] =	ssyncadd.s32 $0xFFFFE780  }
0x20: {  	[tilespmem:s9], [sflag:$0x1] =	stream.strided.gather [hbm4b:s8+s23], $0x1880, s24, s23, $0x38;
	[tilespmem:$0x1AB80] =	vst v63  }
0x21: {  	_ =	swait.ge [sflag:s21], $0x1880  }
0x22: {  	[sflag:s21] =	ssyncset.done $0x0  }
0x23: {  	s9 =	simm.s32 $0xE780;
	[sflag:s21] =	ssyncadd.s32 $0xFFFFE780  }
0x24: {  	[tilespmem:s9], [sflag:$0x1] =	stream.strided.gather [hbm4b:s10+s23], $0x1880, s24, s23, $0x38;
	[tilespmem:$0x1AB80] =	vst v63  }
0x25: {  	_ =	swait.ge [sflag:s21], $0x1880  }
0x26: {  	[sflag:s21] =	ssyncset.done $0x0  }
0x27: {  	s28 =	simm.s32 $0x0;
	[sflag:s21] =	ssyncadd.s32 $0xFFFFE780  }
0x28: {  	v2 =	vld [tilespmem:s28+$0xCF00]  }
0x29: {  	v3 =	vld [tilespmem:s28+$0xE780];
	_ =	sdelay $0x1  }
0x2a: {  	v4 =	vld [tilespmem:s28+$0x9E00];
	_ =	sdelay $0x2  }
0x2b: {  	s29 =	simm.s32 $0x10;
	v1 =	vld [tilespmem:s28+$0xB680];
	v3 =	vadd.f32 v3, v2  }
0x2c: {  	v2 =	vld [tilespmem:s29+$0xCF00]  }
0x2d: {  	v5 =	vadd.f32 v4, v3;
	v4 =	vld [tilespmem:s29+$0xE780];
	_ =	sdelay $0x1  }
0x2e: {  	v3 =	vld [tilespmem:s29+$0x9E00]  }
0x2f: {  	s7 =	simm.s32 $0x80;
	v5 =	vmul.f32 v5, v1  }
.LBB2_2:
0x30: {  	s8 =	sshra.s32 s7, $0x2;
	v6 =	vld [tilespmem:s29+$0xB680];
	p0 =	sne.s32 s7, $0x61C0  }
.Ltmp0:
0x31: {  	s7 =	sadd.s32 $0x40, s7;
	v7 =	vadd.f32 v4, v2;
	v2 =	vld [tilespmem:s8+$0xCF00];
	v8 =	vmax.f32 v5, $0.0e+00;
	v5 =	vmin.f32 v5, $0.0e+00;
	(pc) =	sbr.rel @p0 .LBB2_2-.Ltmp0, $4  }
0x32: {  	v4 =	vld [tilespmem:s8+$0xE780];
	v8 =	vmul.f32 v8, v1;
	v9 =	vmul.f32 v5, v1  }
0x33: {  	v5 =	vadd.f32 v3, v7  }
0x34: {  	v3 =	vld [tilespmem:s8+$0x9E00];
	[tilespmem:s28+$0x11880] =	vst v9  }
0x35: {  	v5 =	vmul.f32 v5, v6;
	[tilespmem:s28+$0x10000] =	vst v8;
	v1 =	vmov v6;
	s28 =	smov.u32 s29;
	s29 =	smov.u32 s8  }
0x36: {  	v6 =	vld [tilespmem:s29+$0xB680]  }
0x37: {  	v2 =	vadd.f32 v4, v2;
	_ =	sdelay $0x1  }
0x38: {  	v2 =	vadd.f32 v3, v2;
	_ =	sdelay $0x1  }
0x39: {  	v3 =	vmin.f32 v5, $0.0e+00;
	v2 =	vmul.f32 v2, v6  }
0x3a: {  	v62 =	vmax.f32 v5, $0.0e+00;
	v3 =	vmul.f32 v3, v1  }
0x3b: {  	v1 =	vmul.f32 v62, v1;
	v63 =	vmin.f32 v2, $0.0e+00  }
0x3c: {  	[tilespmem:s28+$0x11880] =	vst v3;
	v2 =	vmax.f32 v2, $0.0e+00;
	v3 =	vmul.f32 v63, v6  }
0x3d: {  	[tilespmem:s28+$0x10000] =	vst v1;
	v1 =	vmul.f32 v2, v6  }
0x3e: {  	[tilespmem:s29+$0x11880] =	vst v3  }
0x3f: {  	s7 =	simm.s32 $0x10000;
	[tilespmem:s29+$0x10000] =	vst v1  }
0x40: {  	[spmem:s11] =	stream.linear.scatter [tilespmem:s7], [sflag:$0x1], $0x1880, $0x38;
	[tilespmem:$0x1AB80] =	vst v63  }
0x41: {  	_ =	swait.ge [sflag:s21], $0x1880  }
0x42: {  	[sflag:s21] =	ssyncset.done $0x0  }
0x43: {  	s29 =	simm.s32 $0x11880;
	[sflag:s21] =	ssyncadd.s32 $0xFFFFE780  }
0x44: {  	[spmem:s12] =	stream.linear.scatter [tilespmem:s29], [sflag:$0x1], $0x1880, $0x38;
	[tilespmem:$0x1AB80] =	vst v63  }
0x45: {  	_ =	swait.ge [sflag:s21], $0x1880  }
0x46: {  	[sflag:s21] =	ssyncset.done $0x0  }
0x47: {  	s28 =	simm.s32 $0x0;
	s7 =	simm.s32 $0x40;
	[sflag:s21] =	ssyncadd.s32 $0xFFFFE780  }
.LBB2_4:
0x48: {  	p0 =	sne.s32 s7, $0x61C0;
	[tilespmem:s28+$0x13100] =	vst v0;
	s8 =	smov.u32 s7;
	s7 =	sadd.s32 $0x40, s7  }
.Ltmp1:
0x49: {  	(pc) =	sbr.rel @p0 .LBB2_4-.Ltmp1, $2  }
0x4a: {  	_ =	sdelay $0x2  }
0x4b: {  	s28 =	sshra.s32 s8, $0x2  }
0x4c: {  	[tilespmem:s28+$0x13100] =	vst v0  }
0x4d: {  	[spmem:s13] =	stream.linear.scatter [tilespmem:s30], [sflag:$0x1], $0x1880, $0x38;
	[tilespmem:$0x1AB80] =	vst v63  }
0x4e: {  	_ =	swait.ge [sflag:s21], $0x1880  }
0x4f: {  	[sflag:s21] =	ssyncset.done $0x0  }
0x50: {  	[sflag:s21] =	ssyncadd.s32 $0xFFFFE780  }
0x51: {  	[spmem:s14] =	stream.linear.scatter [tilespmem:s30], [sflag:$0x1], $0x1880, $0x38;
	[tilespmem:$0x1AB80] =	vst v63  }
0x52: {  	_ =	swait.ge [sflag:s21], $0x1880  }
0x53: {  	[sflag:s21] =	ssyncset.done $0x0  }
0x54: {  	[sflag:s21] =	ssyncadd.s32 $0xFFFFE780  }
0x55: {  	s7 =	sadd.s32 $0x0, s19;
	[bflag:$0x0] =	sbarrier.arrive $0xFFFF  }
0x56: {  	[tilespmem:s6], [sflag:$0x1] =	stream.linear.gather [hbm4b:s7+s6], $0x2710, $0x38;
	[tilespmem:$0x1AB80] =	vst v63  }
0x57: {  	_ =	swait.ge [sflag:s21], $0x2710  }
0x58: {  	[sflag:s21] =	ssyncset.done $0x0  }
0x59: {  	s29 =	sadd.s32 $0x0, s18;
	[sflag:s21] =	ssyncadd.s32 $0xFFFFD8F0  }
0x5a: {  	[tilespmem:s31], [sflag:$0x1] =	stream.linear.gather [hbm4b:s29+s6], $0x2710, $0x38;
	[tilespmem:$0x1AB80] =	vst v63  }
0x5b: {  	_ =	swait.ge [sflag:s21], $0x2710  }
0x5c: {  	[sflag:s21] =	ssyncset.done $0x0  }
0x5d: {  	[sflag:s21] =	ssyncadd.s32 $0xFFFFD8F0  }
0x5e: {  	[tilespmem:s2], [sflag:$0x1] =	stream.indirect.gather [spmem:s1], $0x1, s6, s0, $0xb8;
	[tilespmem:$0x1AB80] =	vst v63  }
0x5f: {  	_ =	swait.ge [sflag:s21], $0x2710  }
0x60: {  	[sflag:s21] =	ssyncset.done $0x0  }
0x61: {  	[sflag:s21] =	ssyncadd.s32 $0xFFFFD8F0  }
0x62: {  	[tilespmem:s20], [sflag:$0x1] =	stream.indirect.gather [spmem:s3], $0x1, s6, s0, $0xb8;
	[tilespmem:$0x1AB80] =	vst v63  }
0x63: {  	_ =	swait.ge [sflag:s21], $0x2710  }
0x64: {  	[sflag:s21] =	ssyncset.done $0x0  }
0x65: {  	[sflag:s21] =	ssyncadd.s32 $0xFFFFD8F0  }
0x66: {  	[spmem:s4] =	stream.indirect.scatter.add.f32 [tilespmem:s2], [sflag:$0x1], $0x1, s31, s0, $0xb8;
	[tilespmem:$0x1AB80] =	vst v63  }
0x67: {  	_ =	swait.ge [sflag:s21], $0x2710  }
0x68: {  	[sflag:s21] =	ssyncset.done $0x0  }
0x69: {  	[sflag:s21] =	ssyncadd.s32 $0xFFFFD8F0  }
0x6a: {  	[spmem:s5] =	stream.indirect.scatter.add.f32 [tilespmem:s20], [sflag:$0x1], $0x1, s31, s0, $0xb8;
	[tilespmem:$0x1AB80] =	vst v63  }
0x6b: {  	_ =	swait.ge [sflag:s21], $0x2710  }
0x6c: {  	s28 =	simm.s32 $0x4E2;
	s7 =	simm.s32 $0x9C4;
	[sflag:s21] =	ssyncset.done $0x0  }
.LBB2_6:
0x6d: {  	s8 =	sadd.s32 s28, s19  }
0x6e: {  	[sflag:s21] =	ssyncadd.s32 $0xFFFFD8F0;
	s29 =	smov.u32 s7;
	s9 =	sadd.s32 $0x4E2, s7  }
0x6f: {  	[tilespmem:s6], [sflag:$0x1] =	stream.linear.gather [hbm4b:s8+s6], $0x2710, $0x38;
	[tilespmem:$0x1AB80] =	vst v63  }
0x70: {  	p0 =	sne.s32 s7, $0x2BF2;
	_ =	swait.ge [sflag:s21], $0x2710  }
0x71: {  	[sflag:s21] =	ssyncset.done $0x0  }
0x72: {  	s7 =	sadd.s32 s28, s18;
	s28 =	smov.u32 s29;
	[sflag:s21] =	ssyncadd.s32 $0xFFFFD8F0  }
0x73: {  	[tilespmem:s31], [sflag:$0x1] =	stream.linear.gather [hbm4b:s7+s6], $0x2710, $0x38;
	[tilespmem:$0x1AB80] =	vst v63  }
0x74: {  	_ =	swait.ge [sflag:s21], $0x2710  }
0x75: {  	[sflag:s21] =	ssyncset.done $0x0  }
0x76: {  	[sflag:s21] =	ssyncadd.s32 $0xFFFFD8F0  }
0x77: {  	[tilespmem:s2], [sflag:$0x1] =	stream.indirect.gather [spmem:s1], $0x1, s6, s0, $0xb8;
	[tilespmem:$0x1AB80] =	vst v63  }
0x78: {  	_ =	swait.ge [sflag:s21], $0x2710  }
0x79: {  	[sflag:s21] =	ssyncset.done $0x0  }
0x7a: {  	[sflag:s21] =	ssyncadd.s32 $0xFFFFD8F0  }
0x7b: {  	[tilespmem:s20], [sflag:$0x1] =	stream.indirect.gather [spmem:s3], $0x1, s6, s0, $0xb8;
	[tilespmem:$0x1AB80] =	vst v63  }
0x7c: {  	_ =	swait.ge [sflag:s21], $0x2710  }
0x7d: {  	[sflag:s21] =	ssyncset.done $0x0  }
0x7e: {  	[sflag:s21] =	ssyncadd.s32 $0xFFFFD8F0  }
0x7f: {  	[spmem:s4] =	stream.indirect.scatter.add.f32 [tilespmem:s2], [sflag:$0x1], $0x1, s31, s0, $0xb8;
	[tilespmem:$0x1AB80] =	vst v63  }
0x80: {  	_ =	swait.ge [sflag:s21], $0x2710  }
.Ltmp2:
0x81: {  	[sflag:s21] =	ssyncset.done $0x0;
	(pc) =	sbr.rel @p0 .LBB2_6-.Ltmp2, $4  }
0x82: {  	[sflag:s21] =	ssyncadd.s32 $0xFFFFD8F0  }
0x83: {  	[spmem:s5] =	stream.indirect.scatter.add.f32 [tilespmem:s20], [sflag:$0x1], $0x1, s31, s0, $0xb8;
	[tilespmem:$0x1AB80] =	vst v63  }
0x84: {  	_ =	swait.ge [sflag:s21], $0x2710  }
0x85: {  	s7 =	smov.u32 s9;
	[sflag:s21] =	ssyncset.done $0x0  }
0x86: {  	s7 =	sadd.s32 s28, s19;
	[sflag:s21] =	ssyncadd.s32 $0xFFFFD8F0  }
0x87: {  	[tilespmem:s6], [sflag:$0x1] =	stream.linear.gather [hbm4b:s7+s6], $0x2710, $0x38;
	[tilespmem:$0x1AB80] =	vst v63  }
0x88: {  	_ =	swait.ge [sflag:s21], $0x2710  }
0x89: {  	[sflag:s21] =	ssyncset.done $0x0  }
0x8a: {  	s9 =	sadd.s32 s28, s18;
	[sflag:s21] =	ssyncadd.s32 $0xFFFFD8F0  }
0x8b: {  	[tilespmem:s31], [sflag:$0x1] =	stream.linear.gather [hbm4b:s9+s6], $0x2710, $0x38;
	[tilespmem:$0x1AB80] =	vst v63  }
0x8c: {  	_ =	swait.ge [sflag:s21], $0x2710  }
0x8d: {  	[sflag:s21] =	ssyncset.done $0x0  }
0x8e: {  	[sflag:s21] =	ssyncadd.s32 $0xFFFFD8F0  }
0x8f: {  	[tilespmem:s2], [sflag:$0x1] =	stream.indirect.gather [spmem:s1], $0x1, s6, s0, $0xb8;
	[tilespmem:$0x1AB80] =	vst v63  }
0x90: {  	_ =	swait.ge [sflag:s21], $0x2710  }
0x91: {  	[sflag:s21] =	ssyncset.done $0x0  }
0x92: {  	[sflag:s21] =	ssyncadd.s32 $0xFFFFD8F0  }
0x93: {  	[tilespmem:s20], [sflag:$0x1] =	stream.indirect.gather [spmem:s3], $0x1, s6, s0, $0xb8;
	[tilespmem:$0x1AB80] =	vst v63  }
0x94: {  	_ =	swait.ge [sflag:s21], $0x2710  }
0x95: {  	[sflag:s21] =	ssyncset.done $0x0  }
0x96: {  	[sflag:s21] =	ssyncadd.s32 $0xFFFFD8F0  }
0x97: {  	[spmem:s4] =	stream.indirect.scatter.add.f32 [tilespmem:s2], [sflag:$0x1], $0x1, s31, s0, $0xb8;
	[tilespmem:$0x1AB80] =	vst v63  }
0x98: {  	_ =	swait.ge [sflag:s21], $0x2710  }
0x99: {  	[sflag:s21] =	ssyncset.done $0x0  }
0x9a: {  	[sflag:s21] =	ssyncadd.s32 $0xFFFFD8F0  }
0x9b: {  	[spmem:s5] =	stream.indirect.scatter.add.f32 [tilespmem:s20], [sflag:$0x1], $0x1, s31, s0, $0xb8;
	[tilespmem:$0x1AB80] =	vst v63  }
0x9c: {  	_ =	swait.ge [sflag:s21], $0x2710  }
0x9d: {  	s28 =	stileid.u32;
	[sflag:s21] =	ssyncset.done $0x0  }
0x9e: {  	s7 =	sshll.u32 s28, $0x6;
	[sflag:s21] =	ssyncadd.s32 $0xFFFFD8F0  }
0x9f: {  	s8 =	sshrl.u32 s13, $0x3;
	s7 =	sor.u32 $0x1C01, s7;
	[bflag:$0x0] =	sbarrier.arrive $0xFFFF  }
0xa0: {  	[hbm:s15@s22], [sflag:s7] =	dma.strided [spmem:s8@s25], $0x310, s21, $0x10   }
0xa1: {  	s26 =	sadd.s32 $0x1, s26;
	_ =	swait.ge [sflag:s21], $0x310  }
0xa2: {  	p0 =	sne.s32 s26, s17;
	[sflag:s21] =	ssyncset.done $0x0  }
.Ltmp3:
0xa3: {  	s29 =	sshrl.u32 s14, $0x3;
	[sflag:s21] =	ssyncadd.s32 $0xFFFFFCF0;
	(pc) =	sbr.rel @p0 .LBB2_1-.Ltmp3, $4  }
0xa4: {  	[hbm:s16@s22], [sflag:s7] =	dma.strided [spmem:s29@s25], $0x310, s21, $0x10   }
0xa5: {  	_ =	swait.ge [sflag:s21], $0x310  }
0xa6: {  	[sflag:s21] =	ssyncset.done $0x0  }
0xa7: {  	[sflag:s21] =	ssyncadd.s32 $0xFFFFFCF0  }
0xa8: {  	_ =	sfence.sel $0x180000  }
0xa9: {  	[bflag:$0x0] =	sbarrier.arrive $0xFFFF  }
0xaa: {  	_ =	strace $0x9000004D  }
0xab: {  	s0 =	stileid.u32;
	[bflag:$0x2] =	sbarrier.arrive $0xFFFF  }
0xac: {  	p0 =	sne.s32 s0, $0x0;
	s0 =	rddreg [dreg:$0x5]  }
0xad: {  	s0 =	sadd.s32 @!p0 $0x100000, s0  }
0xae: {  	[sflag:s0] =	ssyncadd.tile.s32 @!p0 $0x1;
	_ =	shalt  }
.Lfunc_end2:
_tile_overlayer_lowered:
.L_overlay_start_2:
0xaf: {  	(tag) =	ssettag $0x2  }
0xb0: {  	s0 =	rddreg [dreg:$0x0];
	s2 =	stileid.u32  }
0xb1: {  	s1 =	rddreg [dreg:$0x1];
	p0 =	sne.s32 s2, $0x0  }
0xb2: {  	s3 =	rddreg [dreg:$0x2];
	[bflag:$0x3] =	sbarrier.arrive $0xFFFF;
	s2 =	simm.s32 @!p0 $0x1C01  }
0xb3: {  	[timem:s3], [sflag:s2] =	dma.local @!p0 [hbm:s0], s1  }
0xb4: {  	s0 =	simm.s32 @!p0 $0x1  }
0xb5: {  	_ =	swait.ge @!p0 [sflag:s0], s1  }
0xb6: {  	s1 =	ssub.s32 @!p0 $0x0, s1;
	[sflag:s0] =	ssyncset.done @!p0 $0x0  }
0xb7: {  	[sflag:s0] =	ssyncadd.s32 @!p0 s1  }
0xb8: {  	[bflag:$0x3] =	sbarrier.arrive $0xFFFF  }
0xb9: {  	_ =	shalt  }

// kernel: kernel.7.cloned.1.call-start
scs
__scs_entry_jumppad:
0x0: {  	(pc) =	sbr.rel $0x88, $3  }
0x1: {  	(tag) =	ssettag $0x0;
	lr =	simm.s32 $0x1  }
0x2: {  	[smem:$0x3F9A] =	sst lr;
	_ =	strace $0xD0000000  }
0x3: {  	_ = 	snop  }
0x4: {  	_ = 	snop  }
0x5: {  	_ = 	snop  }
0x6: {  	_ = 	snop  }
0x7: {  	_ = 	snop  }
__scs_overlays_trampoline_lowered:
0x8: {  	[smem:$0x3FA9] =	sst s0  }
0x9: {  	[smem:$0x3FAA] =	sst s1  }
0xa: {  	[smem:$0x3FAB] =	sst s2  }
0xb: {  	[smem:$0x3FAC] =	sst s3  }
0xc: {  	[smem:$0x3FAD] =	sst s4  }
0xd: {  	[smem:$0x3FAE] =	sst s5  }
0xe: {  	[smem:$0x3FAF] =	sst s6  }
0xf: {  	[smem:$0x3FB0] =	sst s7  }
0x10: {  	[smem:$0x3FB1] =	sst s8  }
0x11: {  	[smem:$0x3FB2] =	sst s9;
	s0 =	simm.s32 @!p0 $0x0  }
0x12: {  	s1 =	sld [smem:$0x3F98];
	s0 =	simm.s32 @p0 $0x1  }
0x13: {  	[smem:$0x3FB3] =	sst s0;
	s0 =	simm.s32 @!p1 $0x0  }
0x14: {  	s2 =	sld [smem:$0x3F97];
	s0 =	simm.s32 @p1 $0x1  }
0x15: {  	[smem:$0x3FB4] =	sst s0;
	s0 =	simm.s32 @!p2 $0x0  }
0x16: {  	s3 =	sld [smem:$0x3FDB];
	s0 =	simm.s32 @p2 $0x1  }
0x17: {  	s4 =	simm.s32 $0x1BF5;
	[smem:$0x3FB6] =	sst s0  }
0x18: {  	s0 =	sld [smem:$0x3F99];
	_ =	swait.ge [sflag:s4], $0x0  }
0x19: {  	s7 =	sld [smem:$0x3F9A]  }
0x1a: {  	s8 =	sadd.s32 $0xFFFFE003, lr  }
0x1b: {  	s9 =	sadd.s32 $0xFFFFFEF7, lr;
	s5 =	simm.s32 $0xFFFFFFFF;
	p2 =	slt.u32 s8, $0xFFFFF086  }
0x1c: {  	p1 =	slt.u32 s9, $0xF7A;
	s5 =	simm.s32 @!p2 $0x0  }
0x1d: {  	s5 =	simm.s32 @p1 $0x1;
	p0 =	seq.s32 s7, s2  }
0x1e: {  	s7 =	smul.u32 @!p0 $0xF7A, s2;
	p2 =	seq.s32 @!p0 s5, $0x0  }
0x1f: {  	s9 =	smul.u32 $0xF7A, s1;
	s8 =	simm.s32 @!p0 $0x1BF5;
	p2 =	por !p2, p0  }
0x20: {  	[sflag:s8] =	ssyncset.s32 @!p0 $0xFFFFF086;
	s6 =	sadd.s32 @!p0 s3, s7;
	s7 =	simm.s32 @!p0 $0x108  }
0x21: {  	s3 =	sadd.s32 s3, s9;
	s6 =	sadd.s32 @!p0 $0x88, s6;
	s7 =	simm.s32 @p2 $0x1082  }
0x22: {  	[simem:s7], [sflag:s8] =	dma.local @!p0 [hbm:s6], $0xF7A  }
0x23: {  	s9 =	sor.u32 $0xD0000000, s2;
	s6 =	simm.s32 $0x108;
	_ =	swait.ge @!p0 [sflag:s8], $0x0  }
0x24: {  	s3 =	sadd.s32 $0x88, s3;
	s6 =	simm.s32 @!p1 $0x1082;
	[sflag:s4] =	ssyncset.s32 $0xFFFFF086  }
0x25: {  	[simem:s6], [sflag:s4] =	dma.local [hbm:s3], $0xF7A  }
0x26: {  	[smem:$0x3F9A] =	sst s1;
	(tag) =	ssettag s2;
	_ =	strace s9  }
0x27: {  	s1 =	sld [smem:$0x3FAA]  }
0x28: {  	s2 =	sld [smem:$0x3FAB]  }
0x29: {  	s4 =	sld [smem:$0x3FAD]  }
0x2a: {  	p0 =	seq.s32 s5, $0x0;
	s5 =	sld [smem:$0x3FAE]  }
0x2b: {  	s6 =	sld [smem:$0x3FAF]  }
0x2c: {  	s7 =	sld [smem:$0x3FB0]  }
0x2d: {  	s3 =	simm.s32 $0x108;
	s8 =	sld [smem:$0x3FB1]  }
0x2e: {  	s3 =	simm.s32 @!p0 $0x1082;
	s9 =	sld [smem:$0x3FB2]  }
0x2f: {  	lr =	sadd.s32 s0, s3;
	s0 =	sld [smem:$0x3FA9]  }
0x30: {  	s3 =	sld [smem:$0x3FAC]  }
0x31: {  	[smem:$0x3FB5] =	sst s10  }
0x32: {  	s10 =	sld [smem:$0x3FB3];
	_ =	sdelay $0x3  }
0x33: {  	p0 =	seq.s32 s10, $0x1;
	s10 =	sld [smem:$0x3FB5];
	_ =	sdelay $0x3  }
0x34: {  	[smem:$0x3FB5] =	sst s10  }
0x35: {  	s10 =	sld [smem:$0x3FB4];
	_ =	sdelay $0x3  }
0x36: {  	p1 =	seq.s32 s10, $0x1;
	s10 =	sld [smem:$0x3FB5];
	_ =	sdelay $0x3  }
0x37: {  	[smem:$0x3FB5] =	sst s10  }
0x38: {  	s10 =	sld [smem:$0x3FB6]  }
0x39: {  	_ = 	snop;
	(pc) =	sbr.ind lr, $3  }
0x3a: {  	_ = 	snop  }
0x3b: {  	_ = 	snop  }
0x3c: {  	p2 =	seq.s32 s10, $0x1;
	s10 =	sld [smem:$0x3FB5]  }
0x3d: {  	_ =	shalt  }
0x3e: {  	_ =	shalt  }
0x3f: {  	_ =	shalt  }
0x40: {  	_ =	shalt  }
0x41: {  	_ =	shalt  }
0x42: {  	_ =	shalt  }
0x43: {  	_ =	shalt  }
0x44: {  	_ =	shalt  }
0x45: {  	_ =	shalt  }
0x46: {  	_ =	shalt  }
0x47: {  	_ =	shalt  }
0x48: {  	_ =	shalt  }
0x49: {  	_ =	shalt  }
0x4a: {  	_ =	shalt  }
0x4b: {  	_ =	shalt  }
0x4c: {  	_ =	shalt  }
0x4d: {  	_ =	shalt  }
0x4e: {  	_ =	shalt  }
0x4f: {  	_ =	shalt  }
0x50: {  	_ =	shalt  }
0x51: {  	_ =	shalt  }
0x52: {  	_ =	shalt  }
0x53: {  	_ =	shalt  }
0x54: {  	_ =	shalt  }
0x55: {  	_ =	shalt  }
0x56: {  	_ =	shalt  }
0x57: {  	_ =	shalt  }
0x58: {  	_ =	shalt  }
0x59: {  	_ =	shalt  }
0x5a: {  	_ =	shalt  }
0x5b: {  	_ =	shalt  }
0x5c: {  	_ =	shalt  }
0x5d: {  	_ =	shalt  }
0x5e: {  	_ =	shalt  }
0x5f: {  	_ =	shalt  }
0x60: {  	_ =	shalt  }
0x61: {  	_ =	shalt  }
0x62: {  	_ =	shalt  }
0x63: {  	_ =	shalt  }
0x64: {  	_ =	shalt  }
0x65: {  	_ =	shalt  }
0x66: {  	_ =	shalt  }
0x67: {  	_ =	shalt  }
0x68: {  	_ =	shalt  }
0x69: {  	_ =	shalt  }
0x6a: {  	_ =	shalt  }
0x6b: {  	_ =	shalt  }
0x6c: {  	_ =	shalt  }
0x6d: {  	_ =	shalt  }
0x6e: {  	_ =	shalt  }
0x6f: {  	_ =	shalt  }
0x70: {  	_ =	shalt  }
0x71: {  	_ =	shalt  }
0x72: {  	_ =	shalt  }
0x73: {  	_ =	shalt  }
0x74: {  	_ =	shalt  }
0x75: {  	_ =	shalt  }
0x76: {  	_ =	shalt  }
0x77: {  	_ =	shalt  }
0x78: {  	_ =	shalt  }
0x79: {  	_ =	shalt  }
0x7a: {  	_ =	shalt  }
0x7b: {  	_ =	shalt  }
0x7c: {  	_ =	shalt  }
0x7d: {  	_ =	shalt  }
0x7e: {  	_ =	shalt  }
0x7f: {  	_ =	shalt  }
0x80: {  	_ =	shalt  }
0x81: {  	_ =	shalt  }
0x82: {  	_ =	shalt  }
0x83: {  	_ =	shalt  }
0x84: {  	_ =	shalt  }
0x85: {  	_ =	shalt  }
0x86: {  	_ =	shalt  }
0x87: {  	_ =	shalt  }
.Lfunc_end0:
.L_simem_size_0:
called_computation_lowered:
.L_overlay_start_0:
0x88: {  	s2 =	sld [smem:$0x3FD9]  }
0x89: {  	s3 =	sld [smem:$0x3FFE];
	_ =	sdelay $0x1  }
0x8a: {  	s1 =	srdreg.scid  }
0x8b: {  	s0 =	sand.u32 $0x1, s1  }
0x8c: {  	s16 =	sshll.u32 s0, $0xA;
	s2 =	sadd.s32 s3, s2  }
0x8d: {  	s2 =	sadd.s32 s2, s16  }
0x8e: {  	[smem:$0x3FC1] =	sst s2  }
0x8f: {  	_ = 	snop  }
0x90: {  	(tm) =	ssettm $0x1  }
0x91: {  	s17 =	sld [smem:$0x3FFB];
	_ =	sdelay $0x3  }
0x92: {  	_ =	strace s17  }
0x93: {  	s2 =	sld [smem:$0x3FFC];
	_ =	sdelay $0x3  }
0x94: {  	_ =	strace s2  }
0x95: {  	s2 =	sld [smem:$0x3FFD];
	_ =	sdelay $0x3  }
0x96: {  	_ =	strace s2  }
0x97: {  	_ =	strace $0x8FFFFFFF  }
0x98: {  	s18 =	sld [smem:$0x3FDB];
	_ =	sdelay $0x1  }
0x99: {  	s19 =	simm.s32 $_scs_section_size  }
0x9a: {  	s4 =	simm.s32 $_size__tile_overlayer_lowered;
	s5 =	simm.s32 $_tile_overlayer_lowered  }
0x9b: {  	s22 =	simm.s32 $0x1BFF;
	s21 =	sshll.u32 s5, $0x1;
	s2 =	sadd.s32 s19, s18  }
0x9c: {  	s6 =	simm.s32 $0x0;
	s20 =	sshll.u32 s4, $0x1;
	s4 =	sadd.s32 s21, s2  }
0x9d: {  	[timem:s6], [sflag:s22] =	dma.local [hbm:s4], s20  }
0x9e: {  	_ =	swait.ge [sflag:s22], s20  }
0x9f: {  	s3 =	ssub.s32 $0x0, s20;
	[sflag:s22] =	ssyncset.done $0x0  }
0xa0: {  	[sflag:s22] =	ssyncadd.s32 s3;
	_ =	sdelay $0x1  }
0xa1: {  	s23 =	simm.s32 $0x1B8B  }
0xa2: {  	_ =	swait.ge [sflag:s23], $0x1  }
0xa3: {  	[sflag:s23] =	ssyncset.done $0x0  }
0xa4: {  	s25 =	simm.s32 $0x1B8E;
	s24 =	sld [smem:$0x3FFE];
	[sflag:s23] =	ssyncadd.s32 $0xFFFFFFFF  }
0xa5: {  	s26 =	simm.s32 $execute0_lowered;
	[smem:$0x3FD2] =	sst s25  }
0xa6: {  	s4 =	sshll.u32 s26, $0x1;
	_ =	strace $0x80000046;
	[dreg:$0x1] =	wrdreg $0xFFFFFFFF  }
0xa7: {  	s28 =	simm.s32 $_size_execute0_lowered;
	s2 =	sadd.s32 s2, s4;
	[dreg:$0x0] =	wrdreg $0x0  }
0xa8: {  	s4 =	sshll.u32 s28, $0x1;
	[dreg:$0x2] =	wrdreg s2  }
0xa9: {  	[dreg:$0x3] =	wrdreg s4  }
0xaa: {  	[dreg:$0x4] =	wrdreg $0xC0  }
0xab: {  	_ =	task [dreg:s6], $0x5FFFF  }
0xac: {  	[dreg:$0x1] =	wrdreg $0xFFFFFFFF  }
0xad: {  	[dreg:$0x0] =	wrdreg $0x60  }
0xae: {  	[dreg:$0x2] =	wrdreg s24  }
0xaf: {  	[dreg:$0x3] =	wrdreg $0x67800  }
0xb0: {  	[dreg:$0x4] =	wrdreg $0x9  }
0xb1: {  	_ =	task.clear_ibuf [dreg:s6], $0x5FFFF;
	_ =	strace $0x90000046  }
0xb2: {  	s29 =	simm.s32 $0x9;
	_ =	strace $0x80000048  }
0xb3: {  	_ =	swait.ge [sflag:s29], $0x1  }
0xb4: {  	[sflag:s29] =	ssyncadd.s32 $0xFFFFFFFF  }
0xb5: {  	_ =	strace $0x90000048  }
0xb6: {  	_ =	sfence  }
0xb7: {  	s30 =	sld [smem:$0x0];
	_ =	sdelay $0x2  }
0xb8: {  	s31 =	sshll.u32 s1, $0xD;
	s1 =	sshrl.u32 s1, $0x2  }
0xb9: {  	s3 =	sand.u32 $0x4000, s31;
	s1 =	sadd.s32 s1, s30  }
0xba: {  	s0 =	sor.u32 s3, s0;
	s1 =	sshll.u32 s1, $0x11  }
0xbb: {  	s0 =	sor.u32 s1, s0  }
0xbc: {  	s0 =	sadd.s32 $0x8F2B, s0  }
0xbd: {  	[sflag:s0] =	ssyncadd.remote.s32 $0x1  }
0xbe: {  	_ =	sfence.sel $0xFFFF  }
0xbf: {  	[dreg:$0x0] =	wrdreg $0xFFFFFFFF;
	(pc) =	sbr.abs _section_cstart, $3  }
0xc0: {  	[dreg:$0x1] =	wrdreg $0xFFFFFFFF  }
0xc1: {  	_ =	task.clear_ibuf [dreg:s6], $0x2FFFF;
	_ =	strace $0x9FFFFFFF  }
0xc2: {  	(tm) =	ssettm $0x7FFFFFFF  }
0xc3: {  	_ =	shalt  }
tec
execute0_lowered:
.L_overlay_start_1:
0x0: {  	(tag) =	ssettag $0x1  }
0x1: {  	s0 =	srdreg.scid;
	s5 =	rddreg [dreg:$0x0]  }
0x2: {  	s2 =	rddreg [dreg:$0x1];
	s3 =	simm.s32 $0x0;
	s17 =	simm.s32 $0x4F00  }
0x3: {  	s18 =	simm.s32 $0x1;
	s19 =	simm.s32 $0x2710;
	s20 =	simm.s32 $0x2780  }
0x4: {  	s21 =	simm.s32 $0x20;
	s22 =	simm.s32 $0x10;
	s23 =	simm.s32 $0x0  }
0x5: {  	s4 =	sand.u32 $0x1, s0;
	s0 =	stileid.u32;
	[smem:$0x7FF] =	sst s3  }
0x6: {  	s1 =	sshll.u32 s4, $0x4;
	s7 =	smul.u32 $0x3100, s0;
	s8 =	sshll.u32 s4, $0x7  }
0x7: {  	s26 =	smul.u32 $0x6200, s0;
	s4 =	ssub.s32 $0x2, s4;
	s6 =	sor.u32 s0, s1  }
0x8: {  	s1 =	rddreg [dreg:$0x2];
	_ =	strace $0x80000047;
	s6 =	smul.u32 $0x186A0, s6  }
0x9: {  	s29 =	sshrl.u32 s4, $0x1;
	s7 =	sor.u32 s8, s7;
	s30 =	sshrl.u32 s26, $0x2  }
0xa: {  	s31 =	ssub.s32 s4, s29;
	s28 =	sshrl.u32 s7, $0x3;
	s6 =	sshrl.u32 s6, $0x3  }
0xb: {  	s4 =	sadd.s32 s30, s2;
	s16 =	sadd.s32 s6, s5;
	s5 =	sadd.s32 s28, s5  }
0xc: {  	s7 =	smax.u32 s31, $0x1;
	s5 =	sadd.s32 $0xC6200, s5;
	s6 =	sadd.s32 $0x64600, s16  }
0xd: {  	s8 =	sadd.s32 $0x64AE2, s16;
	s9 =	sadd.s32 $0x64FC4, s16;
	s10 =	sadd.s32 $0x654A6, s16  }
0xe: {  	s11 =	sadd.s32 $0x65988, s16;
	s12 =	sadd.s32 $0x65E6A, s16;
	s13 =	sadd.s32 $0x6634C, s16  }
0xf: {  	v0 =	vimm.f32 $1.000000000e+00;
	v1 =	vimm.f32 $0.0e+00;
	s14 =	sadd.s32 $0x6682E, s16;
	s15 =	sadd.s32 $0x66D10, s16;
	s16 =	sadd.s32 $0x671F2, s16  }
.LBB2_1:
0x10: {  	s24 =	simm.s32 $0x0  }
.LBB2_2:
0x11: {  	p0 =	sne.s32 s24, $0x9C00  }
.Ltmp0:
0x12: {  	_ = 	snop;
	(pc) =	sbr.rel @p0 .LBB2_2-.Ltmp0, $3  }
0x13: {  	_ =	sdelay $0x1  }
0x14: {  	s25 =	sshra.s32 s24, $0x2  }
0x15: {  	s24 =	sadd.s32 $0x40, s24;
	[tilespmem:s25+$0x2780] =	vst v0  }
0x16: {  	s24 =	simm.s32 $0x40;
	s25 =	simm.s32 $0x0  }
.LBB2_4:
0x17: {  	p0 =	sne.s32 s24, $0x61C0;
	[tilespmem:s25+$0x4F00] =	vst v1;
	s25 =	smov.u32 s24;
	s24 =	sadd.s32 $0x40, s24  }
.Ltmp1:
0x18: {  	(pc) =	sbr.rel @p0 .LBB2_4-.Ltmp1, $2  }
0x19: {  	_ =	sdelay $0x2  }
0x1a: {  	s25 =	sshra.s32 s25, $0x2  }
0x1b: {  	[tilespmem:s25+$0x4F00] =	vst v1  }
0x1c: {  	[spmem:s4] =	stream.linear.scatter [tilespmem:s17], [sflag:$0x1], $0x1880, $0x38;
	[tilespmem:$0x8000] =	vst v63  }
0x1d: {  	_ =	swait.ge [sflag:s18], $0x1880  }
0x1e: {  	[sflag:s18] =	ssyncset.done $0x0  }
0x1f: {  	[sflag:s18] =	ssyncadd.s32 $0xFFFFE780  }
0x20: {  	[bflag:$0x0] =	sbarrier.arrive $0xFFFF  }
0x21: {  	[tilespmem:s3], [sflag:$0x1] =	stream.linear.gather [hbm4b:s6+s3], $0x2710, $0x38;
	[tilespmem:$0x8000] =	vst v63  }
0x22: {  	_ =	swait.ge [sflag:s18], $0x2710  }
0x23: {  	[sflag:s18] =	ssyncset.done $0x0  }
0x24: {  	[sflag:s18] =	ssyncadd.s32 $0xFFFFD8F0  }
0x25: {  	[spmem:s2] =	stream.indirect.scatter.add.f32 [tilespmem:s20], [sflag:$0x1], $0x1, s3, s19, $0xb8;
	[tilespmem:$0x8000] =	vst v63  }
0x26: {  	_ =	swait.ge [sflag:s18], $0x2710  }
0x27: {  	[sflag:s18] =	ssyncset.done $0x0  }
0x28: {  	[sflag:s18] =	ssyncadd.s32 $0xFFFFD8F0  }
0x29: {  	[tilespmem:s3], [sflag:$0x1] =	stream.linear.gather [hbm4b:s8+s3], $0x2710, $0x38;
	[tilespmem:$0x8000] =	vst v63  }
0x2a: {  	_ =	swait.ge [sflag:s18], $0x2710  }
0x2b: {  	[sflag:s18] =	ssyncset.done $0x0  }
0x2c: {  	[sflag:s18] =	ssyncadd.s32 $0xFFFFD8F0  }
0x2d: {  	[spmem:s2] =	stream.indirect.scatter.add.f32 [tilespmem:s20], [sflag:$0x1], $0x1, s3, s19, $0xb8;
	[tilespmem:$0x8000] =	vst v63  }
0x2e: {  	_ =	swait.ge [sflag:s18], $0x2710  }
0x2f: {  	[sflag:s18] =	ssyncset.done $0x0  }
0x30: {  	[sflag:s18] =	ssyncadd.s32 $0xFFFFD8F0  }
0x31: {  	[tilespmem:s3], [sflag:$0x1] =	stream.linear.gather [hbm4b:s9+s3], $0x2710, $0x38;
	[tilespmem:$0x8000] =	vst v63  }
0x32: {  	_ =	swait.ge [sflag:s18], $0x2710  }
0x33: {  	[sflag:s18] =	ssyncset.done $0x0  }
0x34: {  	[sflag:s18] =	ssyncadd.s32 $0xFFFFD8F0  }
0x35: {  	[spmem:s2] =	stream.indirect.scatter.add.f32 [tilespmem:s20], [sflag:$0x1], $0x1, s3, s19, $0xb8;
	[tilespmem:$0x8000] =	vst v63  }
0x36: {  	_ =	swait.ge [sflag:s18], $0x2710  }
0x37: {  	[sflag:s18] =	ssyncset.done $0x0  }
0x38: {  	[sflag:s18] =	ssyncadd.s32 $0xFFFFD8F0  }
0x39: {  	[tilespmem:s3], [sflag:$0x1] =	stream.linear.gather [hbm4b:s10+s3], $0x2710, $0x38;
	[tilespmem:$0x8000] =	vst v63  }
0x3a: {  	_ =	swait.ge [sflag:s18], $0x2710  }
0x3b: {  	[sflag:s18] =	ssyncset.done $0x0  }
0x3c: {  	[sflag:s18] =	ssyncadd.s32 $0xFFFFD8F0  }
0x3d: {  	[spmem:s2] =	stream.indirect.scatter.add.f32 [tilespmem:s20], [sflag:$0x1], $0x1, s3, s19, $0xb8;
	[tilespmem:$0x8000] =	vst v63  }
0x3e: {  	_ =	swait.ge [sflag:s18], $0x2710  }
0x3f: {  	[sflag:s18] =	ssyncset.done $0x0  }
0x40: {  	[sflag:s18] =	ssyncadd.s32 $0xFFFFD8F0  }
0x41: {  	[tilespmem:s3], [sflag:$0x1] =	stream.linear.gather [hbm4b:s11+s3], $0x2710, $0x38;
	[tilespmem:$0x8000] =	vst v63  }
0x42: {  	_ =	swait.ge [sflag:s18], $0x2710  }
0x43: {  	[sflag:s18] =	ssyncset.done $0x0  }
0x44: {  	[sflag:s18] =	ssyncadd.s32 $0xFFFFD8F0  }
0x45: {  	[spmem:s2] =	stream.indirect.scatter.add.f32 [tilespmem:s20], [sflag:$0x1], $0x1, s3, s19, $0xb8;
	[tilespmem:$0x8000] =	vst v63  }
0x46: {  	_ =	swait.ge [sflag:s18], $0x2710  }
0x47: {  	[sflag:s18] =	ssyncset.done $0x0  }
0x48: {  	[sflag:s18] =	ssyncadd.s32 $0xFFFFD8F0  }
0x49: {  	[tilespmem:s3], [sflag:$0x1] =	stream.linear.gather [hbm4b:s12+s3], $0x2710, $0x38;
	[tilespmem:$0x8000] =	vst v63  }
0x4a: {  	_ =	swait.ge [sflag:s18], $0x2710  }
0x4b: {  	[sflag:s18] =	ssyncset.done $0x0  }
0x4c: {  	[sflag:s18] =	ssyncadd.s32 $0xFFFFD8F0  }
0x4d: {  	[spmem:s2] =	stream.indirect.scatter.add.f32 [tilespmem:s20], [sflag:$0x1], $0x1, s3, s19, $0xb8;
	[tilespmem:$0x8000] =	vst v63  }
0x4e: {  	_ =	swait.ge [sflag:s18], $0x2710  }
0x4f: {  	[sflag:s18] =	ssyncset.done $0x0  }
0x50: {  	[sflag:s18] =	ssyncadd.s32 $0xFFFFD8F0  }
0x51: {  	[tilespmem:s3], [sflag:$0x1] =	stream.linear.gather [hbm4b:s13+s3], $0x2710, $0x38;
	[tilespmem:$0x8000] =	vst v63  }
0x52: {  	_ =	swait.ge [sflag:s18], $0x2710  }
0x53: {  	[sflag:s18] =	ssyncset.done $0x0  }
0x54: {  	[sflag:s18] =	ssyncadd.s32 $0xFFFFD8F0  }
0x55: {  	[spmem:s2] =	stream.indirect.scatter.add.f32 [tilespmem:s20], [sflag:$0x1], $0x1, s3, s19, $0xb8;
	[tilespmem:$0x8000] =	vst v63  }
0x56: {  	_ =	swait.ge [sflag:s18], $0x2710  }
0x57: {  	[sflag:s18] =	ssyncset.done $0x0  }
0x58: {  	[sflag:s18] =	ssyncadd.s32 $0xFFFFD8F0  }
0x59: {  	[tilespmem:s3], [sflag:$0x1] =	stream.linear.gather [hbm4b:s14+s3], $0x2710, $0x38;
	[tilespmem:$0x8000] =	vst v63  }
0x5a: {  	_ =	swait.ge [sflag:s18], $0x2710  }
0x5b: {  	[sflag:s18] =	ssyncset.done $0x0  }
0x5c: {  	[sflag:s18] =	ssyncadd.s32 $0xFFFFD8F0  }
0x5d: {  	[spmem:s2] =	stream.indirect.scatter.add.f32 [tilespmem:s20], [sflag:$0x1], $0x1, s3, s19, $0xb8;
	[tilespmem:$0x8000] =	vst v63  }
0x5e: {  	_ =	swait.ge [sflag:s18], $0x2710  }
0x5f: {  	[sflag:s18] =	ssyncset.done $0x0  }
0x60: {  	[sflag:s18] =	ssyncadd.s32 $0xFFFFD8F0  }
0x61: {  	[tilespmem:s3], [sflag:$0x1] =	stream.linear.gather [hbm4b:s15+s3], $0x2710, $0x38;
	[tilespmem:$0x8000] =	vst v63  }
0x62: {  	_ =	swait.ge [sflag:s18], $0x2710  }
0x63: {  	[sflag:s18] =	ssyncset.done $0x0  }
0x64: {  	[sflag:s18] =	ssyncadd.s32 $0xFFFFD8F0  }
0x65: {  	[spmem:s2] =	stream.indirect.scatter.add.f32 [tilespmem:s20], [sflag:$0x1], $0x1, s3, s19, $0xb8;
	[tilespmem:$0x8000] =	vst v63  }
0x66: {  	_ =	swait.ge [sflag:s18], $0x2710  }
0x67: {  	[sflag:s18] =	ssyncset.done $0x0  }
0x68: {  	[sflag:s18] =	ssyncadd.s32 $0xFFFFD8F0  }
0x69: {  	[tilespmem:s3], [sflag:$0x1] =	stream.linear.gather [hbm4b:s16+s3], $0x2710, $0x38;
	[tilespmem:$0x8000] =	vst v63  }
0x6a: {  	_ =	swait.ge [sflag:s18], $0x2710  }
0x6b: {  	[sflag:s18] =	ssyncset.done $0x0  }
0x6c: {  	[sflag:s18] =	ssyncadd.s32 $0xFFFFD8F0  }
0x6d: {  	[spmem:s2] =	stream.indirect.scatter.add.f32 [tilespmem:s20], [sflag:$0x1], $0x1, s3, s19, $0xb8;
	[tilespmem:$0x8000] =	vst v63  }
0x6e: {  	_ =	swait.ge [sflag:s18], $0x2710  }
0x6f: {  	s24 =	sshll.u32 s0, $0x6;
	s23 =	sadd.s32 $0x1, s23;
	[sflag:s18] =	ssyncset.done $0x0  }
0x70: {  	s31 =	sshrl.u32 s4, $0x3;
	p0 =	sne.s32 s23, s7;
	[sflag:s18] =	ssyncadd.s32 $0xFFFFD8F0  }
.Ltmp2:
0x71: {  	s24 =	sor.u32 $0x1C01, s24;
	[bflag:$0x0] =	sbarrier.arrive $0xFFFF;
	(pc) =	sbr.rel @p0 .LBB2_1-.Ltmp2, $4  }
0x72: {  	[hbm:s5@s21], [sflag:s24] =	dma.strided [spmem:s31@s22], $0x310, s18, $0x10   }
0x73: {  	_ =	swait.ge [sflag:s18], $0x310  }
0x74: {  	[sflag:s18] =	ssyncset.done $0x0  }
0x75: {  	[sflag:s18] =	ssyncadd.s32 $0xFFFFFCF0  }
0x76: {  	_ =	sfence.sel $0x180000  }
0x77: {  	[bflag:$0x0] =	sbarrier.arrive $0xFFFF  }
0x78: {  	p0 =	sne.s32 s0, $0x0;
	_ =	strace $0x90000047  }
0x79: {  	s0 =	sadd.s32 @!p0 $0x100000, s1;
	[bflag:$0x2] =	sbarrier.arrive $0xFFFF  }
0x7a: {  	[sflag:s0] =	ssyncadd.tile.s32 @!p0 $0x1;
	_ =	shalt  }
.Lfunc_end2:
_tile_overlayer_lowered:
.L_overlay_start_2:
0x7b: {  	(tag) =	ssettag $0x2  }
0x7c: {  	s0 =	rddreg [dreg:$0x0];
	s2 =	stileid.u32  }
0x7d: {  	s1 =	rddreg [dreg:$0x1];
	p0 =	sne.s32 s2, $0x0  }
0x7e: {  	s3 =	rddreg [dreg:$0x2];
	[bflag:$0x3] =	sbarrier.arrive $0xFFFF;
	s2 =	simm.s32 @!p0 $0x1C01  }
0x7f: {  	[timem:s3], [sflag:s2] =	dma.local @!p0 [hbm:s0], s1  }
0x80: {  	s0 =	simm.s32 @!p0 $0x1  }
0x81: {  	_ =	swait.ge @!p0 [sflag:s0], s1  }
0x82: {  	s1 =	ssub.s32 @!p0 $0x0, s1;
	[sflag:s0] =	ssyncset.done @!p0 $0x0  }
0x83: {  	[sflag:s0] =	ssyncadd.s32 @!p0 s1  }
0x84: {  	[bflag:$0x3] =	sbarrier.arrive $0xFFFF  }
0x85: {  	_ =	shalt  }

</sc_bundles>
